<compile_context>
chip_gen: v7x
topology: tpu7x:2x2x1
jax: 0.10.2.dev20260603
libtpu: 0.0.44.dev20260713+nightly
codegen_flags: <defaults>
</compile_context>

<pallas_src>
import functools

import jax
import jax.numpy as jnp
from jax import lax
from jax.experimental import pallas as pl
from jax.experimental.pallas import tpu as pltpu
from jax.experimental.pallas import tpu_sc as plsc

_GRID = 1024
_BAND_ROWS = 32
_PADN = 204800
_ROWS = _PADN // 128
_CHUNK = 12800
_NCHUNK = _PADN // _CHUNK

_NC = 2
_NS = 16
_NW = _NC * _NS


@functools.cache
def _make_count_kernel(n_valid):
    mesh = plsc.VectorSubcoreMesh(
        core_axis_name="c", subcore_axis_name="s",
        num_cores=_NC, num_subcores=_NS)

    @functools.partial(
        pl.kernel,
        mesh=mesh,
        out_type=jax.ShapeDtypeStruct((_NW, 16), jnp.float32),
        compiler_params=pltpu.CompilerParams(needs_layout_passes=False),
        scratch_types=[
            pltpu.VMEM_SHARED((_PADN,), jnp.int32),
            pltpu.VMEM((_PADN // _NS * 2,), jnp.float32),
            pltpu.VMEM((_PADN // _NS,), jnp.int32),
            pltpu.VMEM((2, _CHUNK), jnp.int32),
            pltpu.VMEM((_BAND_ROWS * _GRID + 16,), jnp.float32),
            pltpu.VMEM((16 * 512,), jnp.float32),
            pltpu.VMEM((8 * 256,), jnp.float32),
            pltpu.VMEM((4 * 128,), jnp.float32),
            pltpu.VMEM((2 * 64,), jnp.float32),
            pltpu.VMEM((1 * 32,), jnp.float32),
            pltpu.VMEM((16,), jnp.float32),
            pltpu.SemaphoreType.DMA,
            pltpu.SemaphoreType.DMA,
            pltpu.SemaphoreType.DMA,
        ],
    )
    def count_kernel(pts_hbm, out_hbm, skeys, pbuf, kout, kbuf, occ,
                     p1, p2, p3, p4, p5, res, sem0, sem1, sem2):
        sid = lax.axis_index("s")
        wid = sid * _NC + lax.axis_index("c")
        wbase = wid * (_BAND_ROWS * _GRID)
        lanes = lax.iota(jnp.int32, 16)
        zero16 = jnp.zeros((16,), jnp.float32)
        ones16 = jnp.ones((16,), jnp.float32)

        nstage = _PADN // _NS
        pltpu.async_copy(pts_hbm.at[sid], pbuf, sem2)

        @plsc.parallel_loop(0, (_BAND_ROWS * _GRID) // 16, unroll=16)
        def _zero(i):
            occ[pl.ds(i * 16, 16)] = zero16

        pltpu.make_async_copy(pts_hbm.at[sid], pbuf, sem2).wait()

        gbase = sid * nstage

        @plsc.parallel_loop(0, nstage // 16, unroll=8)
        def _bin(i):
            ix = i * 32 + lanes * 2
            x = plsc.load_gather(pbuf, [ix])
            y = plsc.load_gather(pbuf, [ix + 1])
            cx = ((x - jnp.float32(-51.2)) / jnp.float32(0.1)
                  ).astype(jnp.int32)
            cy = ((y - jnp.float32(-51.2)) / jnp.float32(0.1)
                  ).astype(jnp.int32)
            key = (cy << 10) | cx
            valid = (gbase + i * 16 + lanes) < n_valid
            kout[pl.ds(i * 16, 16)] = jnp.where(valid, key, -1)

        pltpu.sync_copy(kout, skeys.at[pl.ds(sid * nstage, nstage)])
        plsc.subcore_barrier()

        sems = (sem0, sem1)
        pltpu.async_copy(skeys.at[pl.ds(0, _CHUNK)], kbuf.at[0], sem0)

        def chunk_body(h, _):
            for b in range(2):
                c = h * 2 + b
                pltpu.make_async_copy(skeys.at[pl.ds(c * _CHUNK, _CHUNK)],
                                      kbuf.at[b], sems[b]).wait()

                @pl.when(c + 1 < _NCHUNK)
                def _():
                    pltpu.async_copy(
                        skeys.at[pl.ds((c + 1) * _CHUNK, _CHUNK)],
                        kbuf.at[1 - b], sems[1 - b])

                @plsc.parallel_loop(0, _CHUNK // 16, unroll=16)
                def _scan(j):
                    k = kbuf[b, pl.ds(j * 16, 16)]
                    a = k - wbase
                    au = plsc.bitcast(a, jnp.uint32)
                    addr = plsc.bitcast(
                        jnp.minimum(au, jnp.uint32(_BAND_ROWS * _GRID)),
                        jnp.int32)
                    plsc.store_scatter(occ, [addr], ones16)
            return 0
        lax.fori_loop(0, _NCHUNK // 2, chunk_body, 0)

        def pool(src, dst, hd, wd, with_sum):
            gpr = wd // 16
            lg = gpr.bit_length() - 1
            s = 2 * wd
            iota2 = lanes * 2

            @plsc.parallel_loop(0, hd * gpr, unroll=8 if gpr >= 8 else 2,
                                carry=(zero16, zero16))
            def body(cc, carry):
                accm, accs = carry
                yy = lax.shift_right_logical(cc, lg)
                j = lax.bitwise_and(cc, gpr - 1)
                base = yy * (2 * s) + j * 32 + iota2
                a = plsc.load_gather(src, [base])
                b2 = plsc.load_gather(src, [base + 1])
                e = plsc.load_gather(src, [base + s])
                f = plsc.load_gather(src, [base + s + 1])
                m = jnp.maximum(jnp.maximum(a, b2), jnp.maximum(e, f))
                dst[pl.ds(cc * 16, 16)] = m
                accm = accm + m
                if with_sum:
                    accs = accs + ((a + b2) + (e + f))
                return (accm, accs)

            return body

        acc1, acc0 = pool(occ, p1, 16, 512, True)
        acc2, _ = pool(p1, p2, 8, 256, False)
        acc3, _ = pool(p2, p3, 4, 128, False)
        acc4, _ = pool(p3, p4, 2, 64, False)
        acc5, _ = pool(p4, p5, 1, 32, False)

        resv = zero16
        for k_idx, acc in enumerate((acc0, acc1, acc2, acc3, acc4, acc5)):
            t = jnp.sum(acc)
            resv = jnp.where(lanes == k_idx, jnp.broadcast_to(t, (16,)),
                             resv)
        res[...] = resv
        pltpu.sync_copy(res, out_hbm.at[wid])

    return count_kernel


def _combine(t, tt):
    def body(t_ref, tt_ref, pc0_ref, cnt_ref):
        tm = t_ref[...]
        tmt = tt_ref[...]

        tot = jnp.sum(tm, axis=0, keepdims=True)
        pc0_ref[...] = tot[:, 0:3]

        c0 = tmt[0:1] + tmt[1:2] + tmt[2:3] + tmt[3:4]
        av = tm[:, 1:2] + tm[:, 2:3] + tm[:, 3:4] + tm[:, 4:5]
        bv = tm[:, 2:3] + tm[:, 3:4] + tm[:, 4:5] + tm[:, 5:6]
        jj = lax.broadcasted_iota(jnp.int32, (32, 32), 0)
        ss = lax.broadcasted_iota(jnp.int32, (32, 32), 1)
        m1 = ((jj >> 1) == ss).astype(jnp.float32)
        m2 = ((jj >> 2) == ss).astype(jnp.float32)
        c1 = jnp.sum(av * m1, axis=0, keepdims=True)
        c2 = jnp.sum(bv * m2, axis=0, keepdims=True)
        cnt_ref[...] = jnp.concatenate([c0, c1, c2], axis=0)

    return pl.pallas_call(
        body,
        out_shape=[
            jax.ShapeDtypeStruct((1, 3), jnp.float32),
            jax.ShapeDtypeStruct((3, 32), jnp.float32),
        ],
    )(t, tt)


def kernel(points_inds, first_res_idx):
    del first_res_idx
    pts = points_inds
    n = pts.shape[0]
    padded = jnp.pad(pts, ((0, _PADN - n), (0, 0)))
    t = _make_count_kernel(n)(padded.reshape(_NS, (_PADN // _NS) * 2))
    pc0, counts = _combine(t, t.T)
    return pc0, counts

# --- scband reference (transcript-rebuilt; emitter-appended) ---
"""Pipeline reference for scband-multi-voxel-counter-29669634081512 (READ-ONLY COPY).

The authoritative reference and input builder live on the scoring server;
editing this copy changes nothing except your own understanding.
"""

import jax, jax.numpy as jnp
import numpy as np

NUM_RES = 3
SLICE_SZ = 32
PILLAR_SIZES = jnp.array([[0.1, 0.1], [0.2, 0.2], [0.4, 0.4]], dtype=jnp.float32)
PC_RANGE_MINS = jnp.array([[-51.2, -51.2], [-51.2, -51.2], [-51.2, -51.2]], dtype=jnp.float32)
GRID_SIZES = [[1024, 1024], [512, 512], [256, 256]]
NUM_SLICES = [32, 16, 8]


def _maxpool2(x):
    return jax.lax.reduce_window(x, -jnp.inf, jax.lax.max, (1, 1, 2, 2), (1, 1, 2, 2), 'VALID')


def _pillar_calc(batch_grid, num_slices):
    # PillarRes18BackBone8x_pillar_calc: occupancy at strides 1,2,4,8 of the 8x
    # backbone; pc0 = total occupied pillars per resolution at full res;
    # pillar_counts[s, r] = occupied cells in horizontal slice s summed over strides.
    pc0 = jnp.sum(batch_grid, axis=(2, 3))  # [1, R]
    grids = [batch_grid]
    g = batch_grid
    for _ in range(3):
        g = _maxpool2(g)
        grids.append(g)
    R = batch_grid.shape[1]
    counts = jnp.zeros((R, num_slices), dtype=jnp.float32)
    for g in grids:
        Hs = g.shape[2]
        chunk = Hs // num_slices
        c = g[0].reshape(R, num_slices, chunk * g.shape[3]).sum(axis=-1)
        counts = counts + c
    return pc0, counts.T  # [num_slices, R]


def setup_inputs(seed: int = 0) -> dict:
    key = jax.random.key(seed)
    pts = jax.random.uniform(key, (200000, 2), dtype=jnp.float32, minval=-51.2, maxval=51.16)
    return {"points_inds": pts, "first_res_idx": 0}


def reference(points_inds, first_res_idx):
    fri = 0
    cur_num_res = NUM_RES - fri
    grid_sz = GRID_SIZES[fri]
    start = jnp.asarray(first_res_idx, dtype=jnp.int32)
    ps = jax.lax.dynamic_slice_in_dim(PILLAR_SIZES, start, cur_num_res, axis=0)
    mins = jax.lax.dynamic_slice_in_dim(PC_RANGE_MINS, start, cur_num_res, axis=0)
    expanded = jnp.broadcast_to(points_inds[:, None, :], (points_inds.shape[0], cur_num_res, 2))
    coords = ((expanded - mins) / ps).astype(jnp.int32)
    coords = jax.lax.stop_gradient(coords)
    N = points_inds.shape[0]
    inds = jnp.broadcast_to(jnp.arange(cur_num_res), (N, cur_num_res)).reshape(-1)
    y = coords[:, :, 1].reshape(-1)
    x = coords[:, :, 0].reshape(-1)
    batch_grid = jnp.zeros((1, cur_num_res, grid_sz[0], grid_sz[1]), dtype=jnp.float32)
    batch_grid = batch_grid.at[0, inds, y, x].set(1.0)
    pc0, pillar_counts = _pillar_calc(batch_grid, NUM_SLICES[fri])
    return pc0, pillar_counts.T

if __name__ == "__main__":
    import jax
    _d = setup_inputs()
    print(jax.jit(kernel)(*tuple(_d.values())))

</pallas_src>

<mosaic_0001>
#map = affine_map<(d0, d1) -> (0, 0)>
module attributes {stable_mosaic.version = 14 : i64} {
  func.func @count_kernel(%arg0: i32, %arg1: i32, %arg2: memref<16x25600xf32, #tpu.memory_space<hbm>>, %arg3: memref<32x16xf32, #tpu.memory_space<hbm>>, %arg4: memref<204800xi32, #tpu.memory_space<vmem_shared>>, %arg5: memref<25600xf32, #tpu.memory_space<vmem>>, %arg6: memref<12800xi32, #tpu.memory_space<vmem>>, %arg7: memref<2x12800xi32, #tpu.memory_space<vmem>>, %arg8: memref<32784xf32, #tpu.memory_space<vmem>>, %arg9: memref<8192xf32, #tpu.memory_space<vmem>>, %arg10: memref<2048xf32, #tpu.memory_space<vmem>>, %arg11: memref<512xf32, #tpu.memory_space<vmem>>, %arg12: memref<128xf32, #tpu.memory_space<vmem>>, %arg13: memref<32xf32, #tpu.memory_space<vmem>>, %arg14: memref<16xf32, #tpu.memory_space<vmem>>, %arg15: memref<!tpu.dma_semaphore, #tpu.memory_space<semaphore_mem>>, %arg16: memref<!tpu.dma_semaphore, #tpu.memory_space<semaphore_mem>>, %arg17: memref<!tpu.dma_semaphore, #tpu.memory_space<semaphore_mem>>) attributes {dimension_semantics = [#tpu.dimension_semantics<core_parallel>, #tpu.dimension_semantics<subcore_parallel>], iteration_bounds = array<i64: 2, 16>, scalar_prefetch = 0 : i64, scratch_operands = 14 : i64, tpu.core_type = #tpu.core_type<sc_vector_subcore>, window_params = [{transform_indices = #map}, {transform_indices = #map}]} {
    %mul3A = arith.constant 2 : i32
    %mul3A_0 = arith.muli %arg1, %mul3A : i32
    %add3A = arith.addi %mul3A_0, %arg0 : i32
    %mul3A_1 = arith.constant 32768 : i32
    %mul3A_2 = arith.muli %add3A, %mul3A_1 : i32
    %iota3A = tpu.iota {dimensions = array<i32: 0>} : vector<16xi32>
    %broadcast_in_dim3A = arith.constant 0.000000e+00 : f32
    %broadcast_in_dim3A_3 = vector.broadcast %broadcast_in_dim3A : f32 to vector<16xf32>
    %broadcast_in_dim3A_4 = arith.constant 1.000000e+00 : f32
    %broadcast_in_dim3A_5 = vector.broadcast %broadcast_in_dim3A_4 : f32 to vector<16xf32>
    %dma_start3A = arith.constant 0 : i32
    %dma_start3A_6 = tpu.memref_slice %arg2[%arg1, %dma_start3A] : memref<16x25600xf32, #tpu.memory_space<hbm>> -> memref<1x25600xf32, #tpu.memory_space<hbm>>
    %dma_start3A_7 = tpu.memref_squeeze %dma_start3A_6 : memref<1x25600xf32, #tpu.memory_space<hbm>> -> memref<25600xf32, #tpu.memory_space<hbm>>
    %dma_start3A_8 = arith.constant 0 : i32
    %dma_start3A_9 = tpu.memref_slice %arg2[%arg1, %dma_start3A_8] : memref<16x25600xf32, #tpu.memory_space<hbm>> -> memref<1x25600xf32, #tpu.memory_space<hbm>>
    %dma_start3A_10 = tpu.memref_squeeze %dma_start3A_9 : memref<1x25600xf32, #tpu.memory_space<hbm>> -> memref<25600xf32, #tpu.memory_space<hbm>>
    tpu.enqueue_dma source(%dma_start3A_10 : memref<25600xf32, #tpu.memory_space<hbm>>) target(%arg5 : memref<25600xf32, #tpu.memory_space<vmem>>) target_semaphore(%arg17 : memref<!tpu.dma_semaphore, #tpu.memory_space<semaphore_mem>>)
    %parallel_loop3A = arith.constant 0 : i32
    %parallel_loop3A_11 = arith.constant 2048 : i32
    %parallel_loop3A_12 = arith.constant 1 : i32
    scf.for %parallel_loop3A_129 = %parallel_loop3A to %parallel_loop3A_11 step %parallel_loop3A_12  : i32 {
      %parallel_loop3A_130 = arith.constant 16 : i32
      %parallel_loop3A_131 = arith.muli %parallel_loop3A_129, %parallel_loop3A_130 : i32
      %parallel_loop3A_132 = arith.index_cast %parallel_loop3A_131 : i32 to index
      %parallel_loop3A_133 = tpu.vector_load %arg8[%parallel_loop3A_132] {strides = array<i32>} : memref<32784xf32, #tpu.memory_space<vmem>>, vector<16xf32>,
      tpu.vector_store %arg8[%parallel_loop3A_132], %broadcast_in_dim3A_3 {strides = array<i32>} : memref<32784xf32, #tpu.memory_space<vmem>>, vector<16xf32>,
    } {sc.loop_unroll_factor = 16 : i64, sc.parallel_access}
    %dma_wait3A = arith.constant 0 : i32
    %dma_wait3A_13 = tpu.memref_slice %arg2[%arg1, %dma_wait3A] : memref<16x25600xf32, #tpu.memory_space<hbm>> -> memref<1x25600xf32, #tpu.memory_space<hbm>>
    %dma_wait3A_14 = tpu.memref_squeeze %dma_wait3A_13 : memref<1x25600xf32, #tpu.memory_space<hbm>> -> memref<25600xf32, #tpu.memory_space<hbm>>
    %dma_wait3A_15 = arith.constant 0 : i32
    %dma_wait3A_16 = tpu.memref_slice %arg2[%arg1, %dma_wait3A_15] : memref<16x25600xf32, #tpu.memory_space<hbm>> -> memref<1x25600xf32, #tpu.memory_space<hbm>>
    %dma_wait3A_17 = tpu.memref_squeeze %dma_wait3A_16 : memref<1x25600xf32, #tpu.memory_space<hbm>> -> memref<25600xf32, #tpu.memory_space<hbm>>
    tpu.wait_dma2 semaphore(%arg17 : memref<!tpu.dma_semaphore, #tpu.memory_space<semaphore_mem>>) src(%dma_wait3A_17 : memref<25600xf32, #tpu.memory_space<hbm>>) dst(%arg5 : memref<25600xf32, #tpu.memory_space<vmem>>)
    %mul3A_18 = arith.constant 12800 : i32
    %mul3A_19 = arith.muli %arg1, %mul3A_18 : i32
    %parallel_loop3A_20 = arith.constant 0 : i32
    %parallel_loop3A_21 = arith.constant 800 : i32
    %parallel_loop3A_22 = arith.constant 1 : i32
    scf.for %parallel_loop3A_129 = %parallel_loop3A_20 to %parallel_loop3A_21 step %parallel_loop3A_22  : i32 {
      %parallel_loop3A_130 = arith.constant 32 : i32
      %parallel_loop3A_131 = arith.muli %parallel_loop3A_129, %parallel_loop3A_130 : i32
      %parallel_loop3A_132 = arith.constant 2 : i32
      %parallel_loop3A_133 = vector.broadcast %parallel_loop3A_132 : i32 to vector<16xi32>
      %parallel_loop3A_134 = arith.muli %iota3A, %parallel_loop3A_133 : vector<16xi32>
      %parallel_loop3A_135 = vector.broadcast %parallel_loop3A_131 : i32 to vector<16xi32>
      %parallel_loop3A_136 = arith.addi %parallel_loop3A_135, %parallel_loop3A_134 : vector<16xi32>
      %parallel_loop3A_137 = tpu.vector_load_idx %arg5[%parallel_loop3A_136] : memref<25600xf32, #tpu.memory_space<vmem>>[vector<16xi32>], vector<16xf32>,
      %parallel_loop3A_138 = arith.constant 1 : i32
      %parallel_loop3A_139 = vector.broadcast %parallel_loop3A_138 : i32 to vector<16xi32>
      %parallel_loop3A_140 = arith.addi %parallel_loop3A_136, %parallel_loop3A_139 : vector<16xi32>
      %parallel_loop3A_141 = tpu.vector_load_idx %arg5[%parallel_loop3A_140] : memref<25600xf32, #tpu.memory_space<vmem>>[vector<16xi32>], vector<16xf32>,
      %parallel_loop3A_142 = arith.constant -5.120000e+01 : f32
      %parallel_loop3A_143 = vector.broadcast %parallel_loop3A_142 : f32 to vector<16xf32>
      %parallel_loop3A_144 = arith.subf %parallel_loop3A_137, %parallel_loop3A_143 : vector<16xf32>
      %parallel_loop3A_145 = arith.constant 1.000000e-01 : f32
      %parallel_loop3A_146 = vector.broadcast %parallel_loop3A_145 : f32 to vector<16xf32>
      %parallel_loop3A_147 = arith.divf %parallel_loop3A_144, %parallel_loop3A_146 : vector<16xf32>
      %parallel_loop3A_148 = arith.fptosi %parallel_loop3A_147 : vector<16xf32> to vector<16xi32>
      %parallel_loop3A_149 = arith.constant -5.120000e+01 : f32
      %parallel_loop3A_150 = vector.broadcast %parallel_loop3A_149 : f32 to vector<16xf32>
      %parallel_loop3A_151 = arith.subf %parallel_loop3A_141, %parallel_loop3A_150 : vector<16xf32>
      %parallel_loop3A_152 = arith.constant 1.000000e-01 : f32
      %parallel_loop3A_153 = vector.broadcast %parallel_loop3A_152 : f32 to vector<16xf32>
      %parallel_loop3A_154 = arith.divf %parallel_loop3A_151, %parallel_loop3A_153 : vector<16xf32>
      %parallel_loop3A_155 = arith.fptosi %parallel_loop3A_154 : vector<16xf32> to vector<16xi32>
      %parallel_loop3A_156 = arith.constant 10 : i32
      %parallel_loop3A_157 = vector.broadcast %parallel_loop3A_156 : i32 to vector<16xi32>
      %parallel_loop3A_158 = arith.shli %parallel_loop3A_155, %parallel_loop3A_157 : vector<16xi32>
      %parallel_loop3A_159 = arith.ori %parallel_loop3A_158, %parallel_loop3A_148 : vector<16xi32>
      %parallel_loop3A_160 = arith.constant 16 : i32
      %parallel_loop3A_161 = arith.muli %parallel_loop3A_129, %parallel_loop3A_160 : i32
      %parallel_loop3A_162 = arith.addi %mul3A_19, %parallel_loop3A_161 : i32
      %parallel_loop3A_163 = vector.broadcast %parallel_loop3A_162 : i32 to vector<16xi32>
      %parallel_loop3A_164 = arith.addi %parallel_loop3A_163, %iota3A : vector<16xi32>
      %parallel_loop3A_165 = arith.constant 200000 : i32
      %parallel_loop3A_166 = vector.broadcast %parallel_loop3A_165 : i32 to vector<16xi32>
      %parallel_loop3A_167 = arith.cmpi slt, %parallel_loop3A_164, %parallel_loop3A_166 : vector<16xi32>
      %parallel_loop3A_168 = arith.constant -1 : i32
      %parallel_loop3A_169 = vector.broadcast %parallel_loop3A_168 : i32 to vector<16xi32>
      %parallel_loop3A_170 = arith.select %parallel_loop3A_167, %parallel_loop3A_159, %parallel_loop3A_169 : vector<16xi1>, vector<16xi32>
      %parallel_loop3A_171 = arith.constant 16 : i32
      %parallel_loop3A_172 = arith.muli %parallel_loop3A_129, %parallel_loop3A_171 : i32
      %parallel_loop3A_173 = arith.index_cast %parallel_loop3A_172 : i32 to index
      %parallel_loop3A_174 = tpu.vector_load %arg6[%parallel_loop3A_173] {strides = array<i32>} : memref<12800xi32, #tpu.memory_space<vmem>>, vector<16xi32>,
      tpu.vector_store %arg6[%parallel_loop3A_173], %parallel_loop3A_170 {strides = array<i32>} : memref<12800xi32, #tpu.memory_space<vmem>>, vector<16xi32>,
    } {sc.loop_unroll_factor = 8 : i64, sc.parallel_access}
    %mul3A_23 = arith.constant 12800 : i32
    %mul3A_24 = arith.muli %arg1, %mul3A_23 : i32
    "tpu.region"() ({
      %run_scoped3A = tpu.sem_alloc : memref<!tpu.dma_semaphore, #tpu.memory_space<semaphore_mem>>
      %dma_start3A_129 = tpu.memref_slice %arg4[%mul3A_24] : memref<204800xi32, #tpu.memory_space<vmem_shared>> -> memref<12800xi32, #tpu.memory_space<vmem_shared>>
      %dma_start3A_130 = tpu.memref_slice %arg4[%mul3A_24] : memref<204800xi32, #tpu.memory_space<vmem_shared>> -> memref<12800xi32, #tpu.memory_space<vmem_shared>>
      tpu.enqueue_dma source(%arg6 : memref<12800xi32, #tpu.memory_space<vmem>>) target(%dma_start3A_130 : memref<12800xi32, #tpu.memory_space<vmem_shared>>) target_semaphore(%run_scoped3A : memref<!tpu.dma_semaphore, #tpu.memory_space<semaphore_mem>>)
      %dma_wait3A_131 = tpu.memref_slice %arg4[%mul3A_24] : memref<204800xi32, #tpu.memory_space<vmem_shared>> -> memref<12800xi32, #tpu.memory_space<vmem_shared>>
      %dma_wait3A_132 = tpu.memref_slice %arg4[%mul3A_24] : memref<204800xi32, #tpu.memory_space<vmem_shared>> -> memref<12800xi32, #tpu.memory_space<vmem_shared>>
      tpu.wait_dma2 semaphore(%run_scoped3A : memref<!tpu.dma_semaphore, #tpu.memory_space<semaphore_mem>>) src(%arg6 : memref<12800xi32, #tpu.memory_space<vmem>>) dst(%dma_wait3A_132 : memref<12800xi32, #tpu.memory_space<vmem_shared>>)
      tpu.yield
    }) : () -> ()
    %barrier3A = arith.constant 0 : index
    tpu.barrier barrier_id(%barrier3A)
    %dma_start3A_25 = arith.constant 0 : i32
    %dma_start3A_26 = arith.constant 0 : i32
    %dma_start3A_27 = tpu.memref_slice %arg7[%dma_start3A_25, %dma_start3A_26] : memref<2x12800xi32, #tpu.memory_space<vmem>> -> memref<1x12800xi32, #tpu.memory_space<vmem>>
    %dma_start3A_28 = tpu.memref_squeeze %dma_start3A_27 : memref<1x12800xi32, #tpu.memory_space<vmem>> -> memref<12800xi32, #tpu.memory_space<vmem>>
    %dma_start3A_29 = arith.constant 0 : i32
    %dma_start3A_30 = tpu.memref_slice %arg4[%dma_start3A_29] : memref<204800xi32, #tpu.memory_space<vmem_shared>> -> memref<12800xi32, #tpu.memory_space<vmem_shared>>
    %dma_start3A_31 = arith.constant 0 : i32
    %dma_start3A_32 = tpu.memref_slice %arg7[%dma_start3A_25, %dma_start3A_31] : memref<2x12800xi32, #tpu.memory_space<vmem>> -> memref<1x12800xi32, #tpu.memory_space<vmem>>
    %dma_start3A_33 = tpu.memref_squeeze %dma_start3A_32 : memref<1x12800xi32, #tpu.memory_space<vmem>> -> memref<12800xi32, #tpu.memory_space<vmem>>
    %dma_start3A_34 = arith.constant 0 : i32
    %dma_start3A_35 = tpu.memref_slice %arg4[%dma_start3A_34] : memref<204800xi32, #tpu.memory_space<vmem_shared>> -> memref<12800xi32, #tpu.memory_space<vmem_shared>>
    tpu.enqueue_dma source(%dma_start3A_35 : memref<12800xi32, #tpu.memory_space<vmem_shared>>) target(%dma_start3A_33 : memref<12800xi32, #tpu.memory_space<vmem>>) target_semaphore(%arg15 : memref<!tpu.dma_semaphore, #tpu.memory_space<semaphore_mem>>)
    %scan3A = arith.constant 0 : i32
    %scan3A_36 = arith.constant 0 : i32
    %scan3A_37 = arith.constant 8 : i32
    %scan3A_38 = arith.addi %scan3A_36, %scan3A_37 : i32
    %scan3A_39 = arith.constant 1 : i32
    %scan3A_40 = scf.for %scan3A_129 = %scan3A_36 to %scan3A_38 step %scan3A_39 iter_args(%scan3A_130 = %scan3A) -> (i32)  : i32 {
      %mul3A_131 = arith.constant 2 : i32
      %mul3A_132 = arith.muli %scan3A_129, %mul3A_131 : i32
      %add3A_133 = arith.constant 0 : i32
      %add3A_134 = arith.addi %mul3A_132, %add3A_133 : i32
      %mul3A_135 = arith.constant 12800 : i32
      %mul3A_136 = arith.muli %add3A_134, %mul3A_135 : i32
      %dma_wait3A_137 = arith.constant 0 : i32
      %dma_wait3A_138 = arith.constant 0 : i32
      %dma_wait3A_139 = tpu.memref_slice %arg7[%dma_wait3A_137, %dma_wait3A_138] : memref<2x12800xi32, #tpu.memory_space<vmem>> -> memref<1x12800xi32, #tpu.memory_space<vmem>>
      %dma_wait3A_140 = tpu.memref_squeeze %dma_wait3A_139 : memref<1x12800xi32, #tpu.memory_space<vmem>> -> memref<12800xi32, #tpu.memory_space<vmem>>
      %dma_wait3A_141 = tpu.memref_slice %arg4[%mul3A_136] : memref<204800xi32, #tpu.memory_space<vmem_shared>> -> memref<12800xi32, #tpu.memory_space<vmem_shared>>
      %dma_wait3A_142 = arith.constant 0 : i32
      %dma_wait3A_143 = tpu.memref_slice %arg7[%dma_wait3A_137, %dma_wait3A_142] : memref<2x12800xi32, #tpu.memory_space<vmem>> -> memref<1x12800xi32, #tpu.memory_space<vmem>>
      %dma_wait3A_144 = tpu.memref_squeeze %dma_wait3A_143 : memref<1x12800xi32, #tpu.memory_space<vmem>> -> memref<12800xi32, #tpu.memory_space<vmem>>
      %dma_wait3A_145 = tpu.memref_slice %arg4[%mul3A_136] : memref<204800xi32, #tpu.memory_space<vmem_shared>> -> memref<12800xi32, #tpu.memory_space<vmem_shared>>
      tpu.wait_dma2 semaphore(%arg15 : memref<!tpu.dma_semaphore, #tpu.memory_space<semaphore_mem>>) src(%dma_wait3A_145 : memref<12800xi32, #tpu.memory_space<vmem_shared>>) dst(%dma_wait3A_144 : memref<12800xi32, #tpu.memory_space<vmem>>)
      %add3A_146 = arith.constant 1 : i32
      %add3A_147 = arith.addi %add3A_134, %add3A_146 : i32
      %lt3A = arith.constant 16 : i32
      %lt3A_148 = arith.cmpi slt, %add3A_147, %lt3A : i32
      %convert_element_type3A = arith.extui %lt3A_148 : i1 to i32
      %cond3A = arith.constant 0 : i32
      %cond3A_149 = arith.cmpi ne, %convert_element_type3A, %cond3A : i32
      scf.if %cond3A_149 {
        %add3A_179 = arith.constant 1 : i32
        %add3A_180 = arith.addi %add3A_134, %add3A_179 : i32
        %mul3A_181 = arith.constant 12800 : i32
        %mul3A_182 = arith.muli %add3A_180, %mul3A_181 : i32
        %dma_start3A_183 = arith.constant 1 : i32
        %dma_start3A_184 = arith.constant 0 : i32
        %dma_start3A_185 = tpu.memref_slice %arg7[%dma_start3A_183, %dma_start3A_184] : memref<2x12800xi32, #tpu.memory_space<vmem>> -> memref<1x12800xi32, #tpu.memory_space<vmem>>
        %dma_start3A_186 = tpu.memref_squeeze %dma_start3A_185 : memref<1x12800xi32, #tpu.memory_space<vmem>> -> memref<12800xi32, #tpu.memory_space<vmem>>
        %dma_start3A_187 = tpu.memref_slice %arg4[%mul3A_182] : memref<204800xi32, #tpu.memory_space<vmem_shared>> -> memref<12800xi32, #tpu.memory_space<vmem_shared>>
        %dma_start3A_188 = arith.constant 0 : i32
        %dma_start3A_189 = tpu.memref_slice %arg7[%dma_start3A_183, %dma_start3A_188] : memref<2x12800xi32, #tpu.memory_space<vmem>> -> memref<1x12800xi32, #tpu.memory_space<vmem>>
        %dma_start3A_190 = tpu.memref_squeeze %dma_start3A_189 : memref<1x12800xi32, #tpu.memory_space<vmem>> -> memref<12800xi32, #tpu.memory_space<vmem>>
        %dma_start3A_191 = tpu.memref_slice %arg4[%mul3A_182] : memref<204800xi32, #tpu.memory_space<vmem_shared>> -> memref<12800xi32, #tpu.memory_space<vmem_shared>>
        tpu.enqueue_dma source(%dma_start3A_191 : memref<12800xi32, #tpu.memory_space<vmem_shared>>) target(%dma_start3A_190 : memref<12800xi32, #tpu.memory_space<vmem>>) target_semaphore(%arg16 : memref<!tpu.dma_semaphore, #tpu.memory_space<semaphore_mem>>)
      } else {
      }
      %parallel_loop3A_150 = arith.constant 0 : i32
      %parallel_loop3A_151 = arith.constant 800 : i32
      %parallel_loop3A_152 = arith.constant 1 : i32
      scf.for %parallel_loop3A_179 = %parallel_loop3A_150 to %parallel_loop3A_151 step %parallel_loop3A_152  : i32 {
        %parallel_loop3A_180 = arith.constant 16 : i32
        %parallel_loop3A_181 = arith.muli %parallel_loop3A_179, %parallel_loop3A_180 : i32
        %parallel_loop3A_182 = arith.constant 0 : i32
        %parallel_loop3A_183 = arith.index_cast %parallel_loop3A_182 : i32 to index
        %parallel_loop3A_184 = arith.index_cast %parallel_loop3A_181 : i32 to index
        %parallel_loop3A_185 = tpu.vector_load %arg7[%parallel_loop3A_183, %parallel_loop3A_184] {strides = array<i32>} : memref<2x12800xi32, #tpu.memory_space<vmem>>, vector<16xi32>,
        %parallel_loop3A_186 = vector.broadcast %mul3A_2 : i32 to vector<16xi32>
        %parallel_loop3A_187 = arith.subi %parallel_loop3A_185, %parallel_loop3A_186 : vector<16xi32>
        %parallel_loop3A_188 = vector.bitcast %parallel_loop3A_187 : vector<16xi32> to vector<16xi32>
        %parallel_loop3A_189 = arith.constant 32768 : i32
        %parallel_loop3A_190 = vector.broadcast %parallel_loop3A_189 : i32 to vector<16xi32>
        %parallel_loop3A_191 = arith.minui %parallel_loop3A_188, %parallel_loop3A_190 : vector<16xi32>
        %parallel_loop3A_192 = vector.bitcast %parallel_loop3A_191 : vector<16xi32> to vector<16xi32>
        tpu.vector_store_idx %arg8[%parallel_loop3A_192], %broadcast_in_dim3A_5 : memref<32784xf32, #tpu.memory_space<vmem>>[vector<16xi32>], vector<16xf32>,
      } {sc.loop_unroll_factor = 16 : i64, sc.parallel_access}
      %mul3A_153 = arith.constant 2 : i32
      %mul3A_154 = arith.muli %scan3A_129, %mul3A_153 : i32
      %add3A_155 = arith.constant 1 : i32
      %add3A_156 = arith.addi %mul3A_154, %add3A_155 : i32
      %mul3A_157 = arith.constant 12800 : i32
      %mul3A_158 = arith.muli %add3A_156, %mul3A_157 : i32
      %dma_wait3A_159 = arith.constant 1 : i32
      %dma_wait3A_160 = arith.constant 0 : i32
      %dma_wait3A_161 = tpu.memref_slice %arg7[%dma_wait3A_159, %dma_wait3A_160] : memref<2x12800xi32, #tpu.memory_space<vmem>> -> memref<1x12800xi32, #tpu.memory_space<vmem>>
      %dma_wait3A_162 = tpu.memref_squeeze %dma_wait3A_161 : memref<1x12800xi32, #tpu.memory_space<vmem>> -> memref<12800xi32, #tpu.memory_space<vmem>>
      %dma_wait3A_163 = tpu.memref_slice %arg4[%mul3A_158] : memref<204800xi32, #tpu.memory_space<vmem_shared>> -> memref<12800xi32, #tpu.memory_space<vmem_shared>>
      %dma_wait3A_164 = arith.constant 0 : i32
      %dma_wait3A_165 = tpu.memref_slice %arg7[%dma_wait3A_159, %dma_wait3A_164] : memref<2x12800xi32, #tpu.memory_space<vmem>> -> memref<1x12800xi32, #tpu.memory_space<vmem>>
      %dma_wait3A_166 = tpu.memref_squeeze %dma_wait3A_165 : memref<1x12800xi32, #tpu.memory_space<vmem>> -> memref<12800xi32, #tpu.memory_space<vmem>>
      %dma_wait3A_167 = tpu.memref_slice %arg4[%mul3A_158] : memref<204800xi32, #tpu.memory_space<vmem_shared>> -> memref<12800xi32, #tpu.memory_space<vmem_shared>>
      tpu.wait_dma2 semaphore(%arg16 : memref<!tpu.dma_semaphore, #tpu.memory_space<semaphore_mem>>) src(%dma_wait3A_167 : memref<12800xi32, #tpu.memory_space<vmem_shared>>) dst(%dma_wait3A_166 : memref<12800xi32, #tpu.memory_space<vmem>>)
      %add3A_168 = arith.constant 1 : i32
      %add3A_169 = arith.addi %add3A_156, %add3A_168 : i32
      %lt3A_170 = arith.constant 16 : i32
      %lt3A_171 = arith.cmpi slt, %add3A_169, %lt3A_170 : i32
      %convert_element_type3A_172 = arith.extui %lt3A_171 : i1 to i32
      %cond3A_173 = arith.constant 0 : i32
      %cond3A_174 = arith.cmpi ne, %convert_element_type3A_172, %cond3A_173 : i32
      scf.if %cond3A_174 {
        %add3A_179 = arith.constant 1 : i32
        %add3A_180 = arith.addi %add3A_156, %add3A_179 : i32
        %mul3A_181 = arith.constant 12800 : i32
        %mul3A_182 = arith.muli %add3A_180, %mul3A_181 : i32
        %dma_start3A_183 = arith.constant 0 : i32
        %dma_start3A_184 = arith.constant 0 : i32
        %dma_start3A_185 = tpu.memref_slice %arg7[%dma_start3A_183, %dma_start3A_184] : memref<2x12800xi32, #tpu.memory_space<vmem>> -> memref<1x12800xi32, #tpu.memory_space<vmem>>
        %dma_start3A_186 = tpu.memref_squeeze %dma_start3A_185 : memref<1x12800xi32, #tpu.memory_space<vmem>> -> memref<12800xi32, #tpu.memory_space<vmem>>
        %dma_start3A_187 = tpu.memref_slice %arg4[%mul3A_182] : memref<204800xi32, #tpu.memory_space<vmem_shared>> -> memref<12800xi32, #tpu.memory_space<vmem_shared>>
        %dma_start3A_188 = arith.constant 0 : i32
        %dma_start3A_189 = tpu.memref_slice %arg7[%dma_start3A_183, %dma_start3A_188] : memref<2x12800xi32, #tpu.memory_space<vmem>> -> memref<1x12800xi32, #tpu.memory_space<vmem>>
        %dma_start3A_190 = tpu.memref_squeeze %dma_start3A_189 : memref<1x12800xi32, #tpu.memory_space<vmem>> -> memref<12800xi32, #tpu.memory_space<vmem>>
        %dma_start3A_191 = tpu.memref_slice %arg4[%mul3A_182] : memref<204800xi32, #tpu.memory_space<vmem_shared>> -> memref<12800xi32, #tpu.memory_space<vmem_shared>>
        tpu.enqueue_dma source(%dma_start3A_191 : memref<12800xi32, #tpu.memory_space<vmem_shared>>) target(%dma_start3A_190 : memref<12800xi32, #tpu.memory_space<vmem>>) target_semaphore(%arg15 : memref<!tpu.dma_semaphore, #tpu.memory_space<semaphore_mem>>)
      } else {
      }
      %parallel_loop3A_175 = arith.constant 0 : i32
      %parallel_loop3A_176 = arith.constant 800 : i32
      %parallel_loop3A_177 = arith.constant 1 : i32
      scf.for %parallel_loop3A_179 = %parallel_loop3A_175 to %parallel_loop3A_176 step %parallel_loop3A_177  : i32 {
        %parallel_loop3A_180 = arith.constant 16 : i32
        %parallel_loop3A_181 = arith.muli %parallel_loop3A_179, %parallel_loop3A_180 : i32
        %parallel_loop3A_182 = arith.constant 1 : i32
        %parallel_loop3A_183 = arith.index_cast %parallel_loop3A_182 : i32 to index
        %parallel_loop3A_184 = arith.index_cast %parallel_loop3A_181 : i32 to index
        %parallel_loop3A_185 = tpu.vector_load %arg7[%parallel_loop3A_183, %parallel_loop3A_184] {strides = array<i32>} : memref<2x12800xi32, #tpu.memory_space<vmem>>, vector<16xi32>,
        %parallel_loop3A_186 = vector.broadcast %mul3A_2 : i32 to vector<16xi32>
        %parallel_loop3A_187 = arith.subi %parallel_loop3A_185, %parallel_loop3A_186 : vector<16xi32>
        %parallel_loop3A_188 = vector.bitcast %parallel_loop3A_187 : vector<16xi32> to vector<16xi32>
        %parallel_loop3A_189 = arith.constant 32768 : i32
        %parallel_loop3A_190 = vector.broadcast %parallel_loop3A_189 : i32 to vector<16xi32>
        %parallel_loop3A_191 = arith.minui %parallel_loop3A_188, %parallel_loop3A_190 : vector<16xi32>
        %parallel_loop3A_192 = vector.bitcast %parallel_loop3A_191 : vector<16xi32> to vector<16xi32>
        tpu.vector_store_idx %arg8[%parallel_loop3A_192], %broadcast_in_dim3A_5 : memref<32784xf32, #tpu.memory_space<vmem>>[vector<16xi32>], vector<16xf32>,
      } {sc.loop_unroll_factor = 16 : i64, sc.parallel_access}
      %scan3A_178 = arith.constant 0 : i32
      scf.yield %scan3A_178 : i32
    }
    %scan3A_41 = arith.constant 8 : i32
    %mul3A_42 = arith.constant 2 : i32
    %mul3A_43 = vector.broadcast %mul3A_42 : i32 to vector<16xi32>
    %mul3A_44 = arith.muli %iota3A, %mul3A_43 : vector<16xi32>
    %parallel_loop3A_45 = arith.constant 0 : i32
    %parallel_loop3A_46 = arith.constant 512 : i32
    %parallel_loop3A_47 = arith.constant 1 : i32
    %parallel_loop3A_48:2 = scf.for %parallel_loop3A_129 = %parallel_loop3A_45 to %parallel_loop3A_46 step %parallel_loop3A_47 iter_args(%parallel_loop3A_130 = %broadcast_in_dim3A_3, %parallel_loop3A_131 = %broadcast_in_dim3A_3) -> (vector<16xf32>, vector<16xf32>)  : i32 {
      %parallel_loop3A_132 = arith.constant 5 : i32
      %parallel_loop3A_133 = arith.shrui %parallel_loop3A_129, %parallel_loop3A_132 : i32
      %parallel_loop3A_134 = arith.constant 31 : i32
      %parallel_loop3A_135 = arith.andi %parallel_loop3A_129, %parallel_loop3A_134 : i32
      %parallel_loop3A_136 = arith.constant 2048 : i32
      %parallel_loop3A_137 = arith.muli %parallel_loop3A_133, %parallel_loop3A_136 : i32
      %parallel_loop3A_138 = arith.constant 32 : i32
      %parallel_loop3A_139 = arith.muli %parallel_loop3A_135, %parallel_loop3A_138 : i32
      %parallel_loop3A_140 = arith.addi %parallel_loop3A_137, %parallel_loop3A_139 : i32
      %parallel_loop3A_141 = vector.broadcast %parallel_loop3A_140 : i32 to vector<16xi32>
      %parallel_loop3A_142 = arith.addi %parallel_loop3A_141, %mul3A_44 : vector<16xi32>
      %parallel_loop3A_143 = tpu.vector_load_idx %arg8[%parallel_loop3A_142] : memref<32784xf32, #tpu.memory_space<vmem>>[vector<16xi32>], vector<16xf32>,
      %parallel_loop3A_144 = arith.constant 1 : i32
      %parallel_loop3A_145 = vector.broadcast %parallel_loop3A_144 : i32 to vector<16xi32>
      %parallel_loop3A_146 = arith.addi %parallel_loop3A_142, %parallel_loop3A_145 : vector<16xi32>
      %parallel_loop3A_147 = tpu.vector_load_idx %arg8[%parallel_loop3A_146] : memref<32784xf32, #tpu.memory_space<vmem>>[vector<16xi32>], vector<16xf32>,
      %parallel_loop3A_148 = arith.constant 1024 : i32
      %parallel_loop3A_149 = vector.broadcast %parallel_loop3A_148 : i32 to vector<16xi32>
      %parallel_loop3A_150 = arith.addi %parallel_loop3A_142, %parallel_loop3A_149 : vector<16xi32>
      %parallel_loop3A_151 = tpu.vector_load_idx %arg8[%parallel_loop3A_150] : memref<32784xf32, #tpu.memory_space<vmem>>[vector<16xi32>], vector<16xf32>,
      %parallel_loop3A_152 = arith.constant 1024 : i32
      %parallel_loop3A_153 = vector.broadcast %parallel_loop3A_152 : i32 to vector<16xi32>
      %parallel_loop3A_154 = arith.addi %parallel_loop3A_142, %parallel_loop3A_153 : vector<16xi32>
      %parallel_loop3A_155 = arith.constant 1 : i32
      %parallel_loop3A_156 = vector.broadcast %parallel_loop3A_155 : i32 to vector<16xi32>
      %parallel_loop3A_157 = arith.addi %parallel_loop3A_154, %parallel_loop3A_156 : vector<16xi32>
      %parallel_loop3A_158 = tpu.vector_load_idx %arg8[%parallel_loop3A_157] : memref<32784xf32, #tpu.memory_space<vmem>>[vector<16xi32>], vector<16xf32>,
      %parallel_loop3A_159 = arith.maximumf %parallel_loop3A_143, %parallel_loop3A_147 : vector<16xf32>
      %parallel_loop3A_160 = arith.maximumf %parallel_loop3A_151, %parallel_loop3A_158 : vector<16xf32>
      %parallel_loop3A_161 = arith.maximumf %parallel_loop3A_159, %parallel_loop3A_160 : vector<16xf32>
      %parallel_loop3A_162 = arith.constant 16 : i32
      %parallel_loop3A_163 = arith.muli %parallel_loop3A_129, %parallel_loop3A_162 : i32
      %parallel_loop3A_164 = arith.index_cast %parallel_loop3A_163 : i32 to index
      %parallel_loop3A_165 = tpu.vector_load %arg9[%parallel_loop3A_164] {strides = array<i32>} : memref<8192xf32, #tpu.memory_space<vmem>>, vector<16xf32>,
      tpu.vector_store %arg9[%parallel_loop3A_164], %parallel_loop3A_161 {strides = array<i32>} : memref<8192xf32, #tpu.memory_space<vmem>>, vector<16xf32>,
      %parallel_loop3A_166 = arith.addf %parallel_loop3A_130, %parallel_loop3A_161 : vector<16xf32>
      %parallel_loop3A_167 = arith.addf %parallel_loop3A_143, %parallel_loop3A_147 : vector<16xf32>
      %parallel_loop3A_168 = arith.addf %parallel_loop3A_151, %parallel_loop3A_158 : vector<16xf32>
      %parallel_loop3A_169 = arith.addf %parallel_loop3A_167, %parallel_loop3A_168 : vector<16xf32>
      %parallel_loop3A_170 = arith.addf %parallel_loop3A_131, %parallel_loop3A_169 : vector<16xf32>
      scf.yield %parallel_loop3A_166, %parallel_loop3A_170 : vector<16xf32>, vector<16xf32>
    } {sc.loop_unroll_factor = 8 : i64, sc.parallel_access}
    %mul3A_49 = arith.constant 2 : i32
    %mul3A_50 = vector.broadcast %mul3A_49 : i32 to vector<16xi32>
    %mul3A_51 = arith.muli %iota3A, %mul3A_50 : vector<16xi32>
    %parallel_loop3A_52 = arith.constant 0 : i32
    %parallel_loop3A_53 = arith.constant 128 : i32
    %parallel_loop3A_54 = arith.constant 1 : i32
    %parallel_loop3A_55:2 = scf.for %parallel_loop3A_129 = %parallel_loop3A_52 to %parallel_loop3A_53 step %parallel_loop3A_54 iter_args(%parallel_loop3A_130 = %broadcast_in_dim3A_3, %parallel_loop3A_131 = %broadcast_in_dim3A_3) -> (vector<16xf32>, vector<16xf32>)  : i32 {
      %parallel_loop3A_132 = arith.constant 4 : i32
      %parallel_loop3A_133 = arith.shrui %parallel_loop3A_129, %parallel_loop3A_132 : i32
      %parallel_loop3A_134 = arith.constant 15 : i32
      %parallel_loop3A_135 = arith.andi %parallel_loop3A_129, %parallel_loop3A_134 : i32
      %parallel_loop3A_136 = arith.constant 1024 : i32
      %parallel_loop3A_137 = arith.muli %parallel_loop3A_133, %parallel_loop3A_136 : i32
      %parallel_loop3A_138 = arith.constant 32 : i32
      %parallel_loop3A_139 = arith.muli %parallel_loop3A_135, %parallel_loop3A_138 : i32
      %parallel_loop3A_140 = arith.addi %parallel_loop3A_137, %parallel_loop3A_139 : i32
      %parallel_loop3A_141 = vector.broadcast %parallel_loop3A_140 : i32 to vector<16xi32>
      %parallel_loop3A_142 = arith.addi %parallel_loop3A_141, %mul3A_51 : vector<16xi32>
      %parallel_loop3A_143 = tpu.vector_load_idx %arg9[%parallel_loop3A_142] : memref<8192xf32, #tpu.memory_space<vmem>>[vector<16xi32>], vector<16xf32>,
      %parallel_loop3A_144 = arith.constant 1 : i32
      %parallel_loop3A_145 = vector.broadcast %parallel_loop3A_144 : i32 to vector<16xi32>
      %parallel_loop3A_146 = arith.addi %parallel_loop3A_142, %parallel_loop3A_145 : vector<16xi32>
      %parallel_loop3A_147 = tpu.vector_load_idx %arg9[%parallel_loop3A_146] : memref<8192xf32, #tpu.memory_space<vmem>>[vector<16xi32>], vector<16xf32>,
      %parallel_loop3A_148 = arith.constant 512 : i32
      %parallel_loop3A_149 = vector.broadcast %parallel_loop3A_148 : i32 to vector<16xi32>
      %parallel_loop3A_150 = arith.addi %parallel_loop3A_142, %parallel_loop3A_149 : vector<16xi32>
      %parallel_loop3A_151 = tpu.vector_load_idx %arg9[%parallel_loop3A_150] : memref<8192xf32, #tpu.memory_space<vmem>>[vector<16xi32>], vector<16xf32>,
      %parallel_loop3A_152 = arith.constant 512 : i32
      %parallel_loop3A_153 = vector.broadcast %parallel_loop3A_152 : i32 to vector<16xi32>
      %parallel_loop3A_154 = arith.addi %parallel_loop3A_142, %parallel_loop3A_153 : vector<16xi32>
      %parallel_loop3A_155 = arith.constant 1 : i32
      %parallel_loop3A_156 = vector.broadcast %parallel_loop3A_155 : i32 to vector<16xi32>
      %parallel_loop3A_157 = arith.addi %parallel_loop3A_154, %parallel_loop3A_156 : vector<16xi32>
      %parallel_loop3A_158 = tpu.vector_load_idx %arg9[%parallel_loop3A_157] : memref<8192xf32, #tpu.memory_space<vmem>>[vector<16xi32>], vector<16xf32>,
      %parallel_loop3A_159 = arith.maximumf %parallel_loop3A_143, %parallel_loop3A_147 : vector<16xf32>
      %parallel_loop3A_160 = arith.maximumf %parallel_loop3A_151, %parallel_loop3A_158 : vector<16xf32>
      %parallel_loop3A_161 = arith.maximumf %parallel_loop3A_159, %parallel_loop3A_160 : vector<16xf32>
      %parallel_loop3A_162 = arith.constant 16 : i32
      %parallel_loop3A_163 = arith.muli %parallel_loop3A_129, %parallel_loop3A_162 : i32
      %parallel_loop3A_164 = arith.index_cast %parallel_loop3A_163 : i32 to index
      %parallel_loop3A_165 = tpu.vector_load %arg10[%parallel_loop3A_164] {strides = array<i32>} : memref<2048xf32, #tpu.memory_space<vmem>>, vector<16xf32>,
      tpu.vector_store %arg10[%parallel_loop3A_164], %parallel_loop3A_161 {strides = array<i32>} : memref<2048xf32, #tpu.memory_space<vmem>>, vector<16xf32>,
      %parallel_loop3A_166 = arith.addf %parallel_loop3A_130, %parallel_loop3A_161 : vector<16xf32>
      scf.yield %parallel_loop3A_166, %parallel_loop3A_131 : vector<16xf32>, vector<16xf32>
    } {sc.loop_unroll_factor = 8 : i64, sc.parallel_access}
    %mul3A_56 = arith.constant 2 : i32
    %mul3A_57 = vector.broadcast %mul3A_56 : i32 to vector<16xi32>
    %mul3A_58 = arith.muli %iota3A, %mul3A_57 : vector<16xi32>
    %parallel_loop3A_59 = arith.constant 0 : i32
    %parallel_loop3A_60 = arith.constant 32 : i32
    %parallel_loop3A_61 = arith.constant 1 : i32
    %parallel_loop3A_62:2 = scf.for %parallel_loop3A_129 = %parallel_loop3A_59 to %parallel_loop3A_60 step %parallel_loop3A_61 iter_args(%parallel_loop3A_130 = %broadcast_in_dim3A_3, %parallel_loop3A_131 = %broadcast_in_dim3A_3) -> (vector<16xf32>, vector<16xf32>)  : i32 {
      %parallel_loop3A_132 = arith.constant 3 : i32
      %parallel_loop3A_133 = arith.shrui %parallel_loop3A_129, %parallel_loop3A_132 : i32
      %parallel_loop3A_134 = arith.constant 7 : i32
      %parallel_loop3A_135 = arith.andi %parallel_loop3A_129, %parallel_loop3A_134 : i32
      %parallel_loop3A_136 = arith.constant 512 : i32
      %parallel_loop3A_137 = arith.muli %parallel_loop3A_133, %parallel_loop3A_136 : i32
      %parallel_loop3A_138 = arith.constant 32 : i32
      %parallel_loop3A_139 = arith.muli %parallel_loop3A_135, %parallel_loop3A_138 : i32
      %parallel_loop3A_140 = arith.addi %parallel_loop3A_137, %parallel_loop3A_139 : i32
      %parallel_loop3A_141 = vector.broadcast %parallel_loop3A_140 : i32 to vector<16xi32>
      %parallel_loop3A_142 = arith.addi %parallel_loop3A_141, %mul3A_58 : vector<16xi32>
      %parallel_loop3A_143 = tpu.vector_load_idx %arg10[%parallel_loop3A_142] : memref<2048xf32, #tpu.memory_space<vmem>>[vector<16xi32>], vector<16xf32>,
      %parallel_loop3A_144 = arith.constant 1 : i32
      %parallel_loop3A_145 = vector.broadcast %parallel_loop3A_144 : i32 to vector<16xi32>
      %parallel_loop3A_146 = arith.addi %parallel_loop3A_142, %parallel_loop3A_145 : vector<16xi32>
      %parallel_loop3A_147 = tpu.vector_load_idx %arg10[%parallel_loop3A_146] : memref<2048xf32, #tpu.memory_space<vmem>>[vector<16xi32>], vector<16xf32>,
      %parallel_loop3A_148 = arith.constant 256 : i32
      %parallel_loop3A_149 = vector.broadcast %parallel_loop3A_148 : i32 to vector<16xi32>
      %parallel_loop3A_150 = arith.addi %parallel_loop3A_142, %parallel_loop3A_149 : vector<16xi32>
      %parallel_loop3A_151 = tpu.vector_load_idx %arg10[%parallel_loop3A_150] : memref<2048xf32, #tpu.memory_space<vmem>>[vector<16xi32>], vector<16xf32>,
      %parallel_loop3A_152 = arith.constant 256 : i32
      %parallel_loop3A_153 = vector.broadcast %parallel_loop3A_152 : i32 to vector<16xi32>
      %parallel_loop3A_154 = arith.addi %parallel_loop3A_142, %parallel_loop3A_153 : vector<16xi32>
      %parallel_loop3A_155 = arith.constant 1 : i32
      %parallel_loop3A_156 = vector.broadcast %parallel_loop3A_155 : i32 to vector<16xi32>
      %parallel_loop3A_157 = arith.addi %parallel_loop3A_154, %parallel_loop3A_156 : vector<16xi32>
      %parallel_loop3A_158 = tpu.vector_load_idx %arg10[%parallel_loop3A_157] : memref<2048xf32, #tpu.memory_space<vmem>>[vector<16xi32>], vector<16xf32>,
      %parallel_loop3A_159 = arith.maximumf %parallel_loop3A_143, %parallel_loop3A_147 : vector<16xf32>
      %parallel_loop3A_160 = arith.maximumf %parallel_loop3A_151, %parallel_loop3A_158 : vector<16xf32>
      %parallel_loop3A_161 = arith.maximumf %parallel_loop3A_159, %parallel_loop3A_160 : vector<16xf32>
      %parallel_loop3A_162 = arith.constant 16 : i32
      %parallel_loop3A_163 = arith.muli %parallel_loop3A_129, %parallel_loop3A_162 : i32
      %parallel_loop3A_164 = arith.index_cast %parallel_loop3A_163 : i32 to index
      %parallel_loop3A_165 = tpu.vector_load %arg11[%parallel_loop3A_164] {strides = array<i32>} : memref<512xf32, #tpu.memory_space<vmem>>, vector<16xf32>,
      tpu.vector_store %arg11[%parallel_loop3A_164], %parallel_loop3A_161 {strides = array<i32>} : memref<512xf32, #tpu.memory_space<vmem>>, vector<16xf32>,
      %parallel_loop3A_166 = arith.addf %parallel_loop3A_130, %parallel_loop3A_161 : vector<16xf32>
      scf.yield %parallel_loop3A_166, %parallel_loop3A_131 : vector<16xf32>, vector<16xf32>
    } {sc.loop_unroll_factor = 8 : i64, sc.parallel_access}
    %mul3A_63 = arith.constant 2 : i32
    %mul3A_64 = vector.broadcast %mul3A_63 : i32 to vector<16xi32>
    %mul3A_65 = arith.muli %iota3A, %mul3A_64 : vector<16xi32>
    %parallel_loop3A_66 = arith.constant 0 : i32
    %parallel_loop3A_67 = arith.constant 8 : i32
    %parallel_loop3A_68 = arith.constant 1 : i32
    %parallel_loop3A_69:2 = scf.for %parallel_loop3A_129 = %parallel_loop3A_66 to %parallel_loop3A_67 step %parallel_loop3A_68 iter_args(%parallel_loop3A_130 = %broadcast_in_dim3A_3, %parallel_loop3A_131 = %broadcast_in_dim3A_3) -> (vector<16xf32>, vector<16xf32>)  : i32 {
      %parallel_loop3A_132 = arith.constant 2 : i32
      %parallel_loop3A_133 = arith.shrui %parallel_loop3A_129, %parallel_loop3A_132 : i32
      %parallel_loop3A_134 = arith.constant 3 : i32
      %parallel_loop3A_135 = arith.andi %parallel_loop3A_129, %parallel_loop3A_134 : i32
      %parallel_loop3A_136 = arith.constant 256 : i32
      %parallel_loop3A_137 = arith.muli %parallel_loop3A_133, %parallel_loop3A_136 : i32
      %parallel_loop3A_138 = arith.constant 32 : i32
      %parallel_loop3A_139 = arith.muli %parallel_loop3A_135, %parallel_loop3A_138 : i32
      %parallel_loop3A_140 = arith.addi %parallel_loop3A_137, %parallel_loop3A_139 : i32
      %parallel_loop3A_141 = vector.broadcast %parallel_loop3A_140 : i32 to vector<16xi32>
      %parallel_loop3A_142 = arith.addi %parallel_loop3A_141, %mul3A_65 : vector<16xi32>
      %parallel_loop3A_143 = tpu.vector_load_idx %arg11[%parallel_loop3A_142] : memref<512xf32, #tpu.memory_space<vmem>>[vector<16xi32>], vector<16xf32>,
      %parallel_loop3A_144 = arith.constant 1 : i32
      %parallel_loop3A_145 = vector.broadcast %parallel_loop3A_144 : i32 to vector<16xi32>
      %parallel_loop3A_146 = arith.addi %parallel_loop3A_142, %parallel_loop3A_145 : vector<16xi32>
      %parallel_loop3A_147 = tpu.vector_load_idx %arg11[%parallel_loop3A_146] : memref<512xf32, #tpu.memory_space<vmem>>[vector<16xi32>], vector<16xf32>,
      %parallel_loop3A_148 = arith.constant 128 : i32
      %parallel_loop3A_149 = vector.broadcast %parallel_loop3A_148 : i32 to vector<16xi32>
      %parallel_loop3A_150 = arith.addi %parallel_loop3A_142, %parallel_loop3A_149 : vector<16xi32>
      %parallel_loop3A_151 = tpu.vector_load_idx %arg11[%parallel_loop3A_150] : memref<512xf32, #tpu.memory_space<vmem>>[vector<16xi32>], vector<16xf32>,
      %parallel_loop3A_152 = arith.constant 128 : i32
      %parallel_loop3A_153 = vector.broadcast %parallel_loop3A_152 : i32 to vector<16xi32>
      %parallel_loop3A_154 = arith.addi %parallel_loop3A_142, %parallel_loop3A_153 : vector<16xi32>
      %parallel_loop3A_155 = arith.constant 1 : i32
      %parallel_loop3A_156 = vector.broadcast %parallel_loop3A_155 : i32 to vector<16xi32>
      %parallel_loop3A_157 = arith.addi %parallel_loop3A_154, %parallel_loop3A_156 : vector<16xi32>
      %parallel_loop3A_158 = tpu.vector_load_idx %arg11[%parallel_loop3A_157] : memref<512xf32, #tpu.memory_space<vmem>>[vector<16xi32>], vector<16xf32>,
      %parallel_loop3A_159 = arith.maximumf %parallel_loop3A_143, %parallel_loop3A_147 : vector<16xf32>
      %parallel_loop3A_160 = arith.maximumf %parallel_loop3A_151, %parallel_loop3A_158 : vector<16xf32>
      %parallel_loop3A_161 = arith.maximumf %parallel_loop3A_159, %parallel_loop3A_160 : vector<16xf32>
      %parallel_loop3A_162 = arith.constant 16 : i32
      %parallel_loop3A_163 = arith.muli %parallel_loop3A_129, %parallel_loop3A_162 : i32
      %parallel_loop3A_164 = arith.index_cast %parallel_loop3A_163 : i32 to index
      %parallel_loop3A_165 = tpu.vector_load %arg12[%parallel_loop3A_164] {strides = array<i32>} : memref<128xf32, #tpu.memory_space<vmem>>, vector<16xf32>,
      tpu.vector_store %arg12[%parallel_loop3A_164], %parallel_loop3A_161 {strides = array<i32>} : memref<128xf32, #tpu.memory_space<vmem>>, vector<16xf32>,
      %parallel_loop3A_166 = arith.addf %parallel_loop3A_130, %parallel_loop3A_161 : vector<16xf32>
      scf.yield %parallel_loop3A_166, %parallel_loop3A_131 : vector<16xf32>, vector<16xf32>
    } {sc.loop_unroll_factor = 2 : i64, sc.parallel_access}
    %mul3A_70 = arith.constant 2 : i32
    %mul3A_71 = vector.broadcast %mul3A_70 : i32 to vector<16xi32>
    %mul3A_72 = arith.muli %iota3A, %mul3A_71 : vector<16xi32>
    %parallel_loop3A_73 = arith.constant 0 : i32
    %parallel_loop3A_74 = arith.constant 2 : i32
    %parallel_loop3A_75 = arith.constant 1 : i32
    %parallel_loop3A_76:2 = scf.for %parallel_loop3A_129 = %parallel_loop3A_73 to %parallel_loop3A_74 step %parallel_loop3A_75 iter_args(%parallel_loop3A_130 = %broadcast_in_dim3A_3, %parallel_loop3A_131 = %broadcast_in_dim3A_3) -> (vector<16xf32>, vector<16xf32>)  : i32 {
      %parallel_loop3A_132 = arith.constant 1 : i32
      %parallel_loop3A_133 = arith.shrui %parallel_loop3A_129, %parallel_loop3A_132 : i32
      %parallel_loop3A_134 = arith.constant 1 : i32
      %parallel_loop3A_135 = arith.andi %parallel_loop3A_129, %parallel_loop3A_134 : i32
      %parallel_loop3A_136 = arith.constant 128 : i32
      %parallel_loop3A_137 = arith.muli %parallel_loop3A_133, %parallel_loop3A_136 : i32
      %parallel_loop3A_138 = arith.constant 32 : i32
      %parallel_loop3A_139 = arith.muli %parallel_loop3A_135, %parallel_loop3A_138 : i32
      %parallel_loop3A_140 = arith.addi %parallel_loop3A_137, %parallel_loop3A_139 : i32
      %parallel_loop3A_141 = vector.broadcast %parallel_loop3A_140 : i32 to vector<16xi32>
      %parallel_loop3A_142 = arith.addi %parallel_loop3A_141, %mul3A_72 : vector<16xi32>
      %parallel_loop3A_143 = tpu.vector_load_idx %arg12[%parallel_loop3A_142] : memref<128xf32, #tpu.memory_space<vmem>>[vector<16xi32>], vector<16xf32>,
      %parallel_loop3A_144 = arith.constant 1 : i32
      %parallel_loop3A_145 = vector.broadcast %parallel_loop3A_144 : i32 to vector<16xi32>
      %parallel_loop3A_146 = arith.addi %parallel_loop3A_142, %parallel_loop3A_145 : vector<16xi32>
      %parallel_loop3A_147 = tpu.vector_load_idx %arg12[%parallel_loop3A_146] : memref<128xf32, #tpu.memory_space<vmem>>[vector<16xi32>], vector<16xf32>,
      %parallel_loop3A_148 = arith.constant 64 : i32
      %parallel_loop3A_149 = vector.broadcast %parallel_loop3A_148 : i32 to vector<16xi32>
      %parallel_loop3A_150 = arith.addi %parallel_loop3A_142, %parallel_loop3A_149 : vector<16xi32>
      %parallel_loop3A_151 = tpu.vector_load_idx %arg12[%parallel_loop3A_150] : memref<128xf32, #tpu.memory_space<vmem>>[vector<16xi32>], vector<16xf32>,
      %parallel_loop3A_152 = arith.constant 64 : i32
      %parallel_loop3A_153 = vector.broadcast %parallel_loop3A_152 : i32 to vector<16xi32>
      %parallel_loop3A_154 = arith.addi %parallel_loop3A_142, %parallel_loop3A_153 : vector<16xi32>
      %parallel_loop3A_155 = arith.constant 1 : i32
      %parallel_loop3A_156 = vector.broadcast %parallel_loop3A_155 : i32 to vector<16xi32>
      %parallel_loop3A_157 = arith.addi %parallel_loop3A_154, %parallel_loop3A_156 : vector<16xi32>
      %parallel_loop3A_158 = tpu.vector_load_idx %arg12[%parallel_loop3A_157] : memref<128xf32, #tpu.memory_space<vmem>>[vector<16xi32>], vector<16xf32>,
      %parallel_loop3A_159 = arith.maximumf %parallel_loop3A_143, %parallel_loop3A_147 : vector<16xf32>
      %parallel_loop3A_160 = arith.maximumf %parallel_loop3A_151, %parallel_loop3A_158 : vector<16xf32>
      %parallel_loop3A_161 = arith.maximumf %parallel_loop3A_159, %parallel_loop3A_160 : vector<16xf32>
      %parallel_loop3A_162 = arith.constant 16 : i32
      %parallel_loop3A_163 = arith.muli %parallel_loop3A_129, %parallel_loop3A_162 : i32
      %parallel_loop3A_164 = arith.index_cast %parallel_loop3A_163 : i32 to index
      %parallel_loop3A_165 = tpu.vector_load %arg13[%parallel_loop3A_164] {strides = array<i32>} : memref<32xf32, #tpu.memory_space<vmem>>, vector<16xf32>,
      tpu.vector_store %arg13[%parallel_loop3A_164], %parallel_loop3A_161 {strides = array<i32>} : memref<32xf32, #tpu.memory_space<vmem>>, vector<16xf32>,
      %parallel_loop3A_166 = arith.addf %parallel_loop3A_130, %parallel_loop3A_161 : vector<16xf32>
      scf.yield %parallel_loop3A_166, %parallel_loop3A_131 : vector<16xf32>, vector<16xf32>
    } {sc.loop_unroll_factor = 2 : i64, sc.parallel_access}
    %reduce_sum3A = arith.constant true
    %reduce_sum3A_77 = vector.broadcast %reduce_sum3A : i1 to vector<16xi1>
    %reduce_sum3A_78 = tpu.scan <sum>, %parallel_loop3A_48#1 masked %reduce_sum3A_77 : vector<16xf32>, vector<16xi1> -> vector<16xf32>
    %reduce_sum3A_79 = vector.extract %reduce_sum3A_78[15] : f32 from vector<16xf32>
    %eq3A = arith.constant 0 : i32
    %eq3A_80 = vector.broadcast %eq3A : i32 to vector<16xi32>
    %eq3A_81 = arith.cmpi eq, %iota3A, %eq3A_80 : vector<16xi32>
    %broadcast_in_dim3A_82 = vector.broadcast %reduce_sum3A_79 : f32 to vector<16xf32>
    %select_n3A = arith.select %eq3A_81, %broadcast_in_dim3A_82, %broadcast_in_dim3A_3 : vector<16xi1>, vector<16xf32>
    %reduce_sum3A_83 = arith.constant true
    %reduce_sum3A_84 = vector.broadcast %reduce_sum3A_83 : i1 to vector<16xi1>
    %reduce_sum3A_85 = tpu.scan <sum>, %parallel_loop3A_48#0 masked %reduce_sum3A_84 : vector<16xf32>, vector<16xi1> -> vector<16xf32>
    %reduce_sum3A_86 = vector.extract %reduce_sum3A_85[15] : f32 from vector<16xf32>
    %eq3A_87 = arith.constant 1 : i32
    %eq3A_88 = vector.broadcast %eq3A_87 : i32 to vector<16xi32>
    %eq3A_89 = arith.cmpi eq, %iota3A, %eq3A_88 : vector<16xi32>
    %broadcast_in_dim3A_90 = vector.broadcast %reduce_sum3A_86 : f32 to vector<16xf32>
    %select_n3A_91 = arith.select %eq3A_89, %broadcast_in_dim3A_90, %select_n3A : vector<16xi1>, vector<16xf32>
    %reduce_sum3A_92 = arith.constant true
    %reduce_sum3A_93 = vector.broadcast %reduce_sum3A_92 : i1 to vector<16xi1>
    %reduce_sum3A_94 = tpu.scan <sum>, %parallel_loop3A_55#0 masked %reduce_sum3A_93 : vector<16xf32>, vector<16xi1> -> vector<16xf32>
    %reduce_sum3A_95 = vector.extract %reduce_sum3A_94[15] : f32 from vector<16xf32>
    %eq3A_96 = arith.constant 2 : i32
    %eq3A_97 = vector.broadcast %eq3A_96 : i32 to vector<16xi32>
    %eq3A_98 = arith.cmpi eq, %iota3A, %eq3A_97 : vector<16xi32>
    %broadcast_in_dim3A_99 = vector.broadcast %reduce_sum3A_95 : f32 to vector<16xf32>
    %select_n3A_100 = arith.select %eq3A_98, %broadcast_in_dim3A_99, %select_n3A_91 : vector<16xi1>, vector<16xf32>
    %reduce_sum3A_101 = arith.constant true
    %reduce_sum3A_102 = vector.broadcast %reduce_sum3A_101 : i1 to vector<16xi1>
    %reduce_sum3A_103 = tpu.scan <sum>, %parallel_loop3A_62#0 masked %reduce_sum3A_102 : vector<16xf32>, vector<16xi1> -> vector<16xf32>
    %reduce_sum3A_104 = vector.extract %reduce_sum3A_103[15] : f32 from vector<16xf32>
    %eq3A_105 = arith.constant 3 : i32
    %eq3A_106 = vector.broadcast %eq3A_105 : i32 to vector<16xi32>
    %eq3A_107 = arith.cmpi eq, %iota3A, %eq3A_106 : vector<16xi32>
    %broadcast_in_dim3A_108 = vector.broadcast %reduce_sum3A_104 : f32 to vector<16xf32>
    %select_n3A_109 = arith.select %eq3A_107, %broadcast_in_dim3A_108, %select_n3A_100 : vector<16xi1>, vector<16xf32>
    %reduce_sum3A_110 = arith.constant true
    %reduce_sum3A_111 = vector.broadcast %reduce_sum3A_110 : i1 to vector<16xi1>
    %reduce_sum3A_112 = tpu.scan <sum>, %parallel_loop3A_69#0 masked %reduce_sum3A_111 : vector<16xf32>, vector<16xi1> -> vector<16xf32>
    %reduce_sum3A_113 = vector.extract %reduce_sum3A_112[15] : f32 from vector<16xf32>
    %eq3A_114 = arith.constant 4 : i32
    %eq3A_115 = vector.broadcast %eq3A_114 : i32 to vector<16xi32>
    %eq3A_116 = arith.cmpi eq, %iota3A, %eq3A_115 : vector<16xi32>
    %broadcast_in_dim3A_117 = vector.broadcast %reduce_sum3A_113 : f32 to vector<16xf32>
    %select_n3A_118 = arith.select %eq3A_116, %broadcast_in_dim3A_117, %select_n3A_109 : vector<16xi1>, vector<16xf32>
    %reduce_sum3A_119 = arith.constant true
    %reduce_sum3A_120 = vector.broadcast %reduce_sum3A_119 : i1 to vector<16xi1>
    %reduce_sum3A_121 = tpu.scan <sum>, %parallel_loop3A_76#0 masked %reduce_sum3A_120 : vector<16xf32>, vector<16xi1> -> vector<16xf32>
    %reduce_sum3A_122 = vector.extract %reduce_sum3A_121[15] : f32 from vector<16xf32>
    %eq3A_123 = arith.constant 5 : i32
    %eq3A_124 = vector.broadcast %eq3A_123 : i32 to vector<16xi32>
    %eq3A_125 = arith.cmpi eq, %iota3A, %eq3A_124 : vector<16xi32>
    %broadcast_in_dim3A_126 = vector.broadcast %reduce_sum3A_122 : f32 to vector<16xf32>
    %select_n3A_127 = arith.select %eq3A_125, %broadcast_in_dim3A_126, %select_n3A_118 : vector<16xi1>, vector<16xf32>
    %swap3A = arith.constant 0 : index
    %swap3A_128 = tpu.vector_load %arg14[%swap3A] {strides = array<i32>} : memref<16xf32, #tpu.memory_space<vmem>>, vector<16xf32>,
    tpu.vector_store %arg14[%swap3A], %select_n3A_127 {strides = array<i32>} : memref<16xf32, #tpu.memory_space<vmem>>, vector<16xf32>,
    "tpu.region"() ({
      %run_scoped3A = tpu.sem_alloc : memref<!tpu.dma_semaphore, #tpu.memory_space<semaphore_mem>>
      %dma_start3A_129 = arith.constant 0 : i32
      %dma_start3A_130 = tpu.memref_slice %arg3[%add3A, %dma_start3A_129] : memref<32x16xf32, #tpu.memory_space<hbm>> -> memref<1x16xf32, #tpu.memory_space<hbm>>
      %dma_start3A_131 = tpu.memref_squeeze %dma_start3A_130 : memref<1x16xf32, #tpu.memory_space<hbm>> -> memref<16xf32, #tpu.memory_space<hbm>>
      %dma_start3A_132 = arith.constant 0 : i32
      %dma_start3A_133 = tpu.memref_slice %arg3[%add3A, %dma_start3A_132] : memref<32x16xf32, #tpu.memory_space<hbm>> -> memref<1x16xf32, #tpu.memory_space<hbm>>
      %dma_start3A_134 = tpu.memref_squeeze %dma_start3A_133 : memref<1x16xf32, #tpu.memory_space<hbm>> -> memref<16xf32, #tpu.memory_space<hbm>>
      tpu.enqueue_dma source(%arg14 : memref<16xf32, #tpu.memory_space<vmem>>) target(%dma_start3A_134 : memref<16xf32, #tpu.memory_space<hbm>>) target_semaphore(%run_scoped3A : memref<!tpu.dma_semaphore, #tpu.memory_space<semaphore_mem>>)
      %dma_wait3A_135 = arith.constant 0 : i32
      %dma_wait3A_136 = tpu.memref_slice %arg3[%add3A, %dma_wait3A_135] : memref<32x16xf32, #tpu.memory_space<hbm>> -> memref<1x16xf32, #tpu.memory_space<hbm>>
      %dma_wait3A_137 = tpu.memref_squeeze %dma_wait3A_136 : memref<1x16xf32, #tpu.memory_space<hbm>> -> memref<16xf32, #tpu.memory_space<hbm>>
      %dma_wait3A_138 = arith.constant 0 : i32
      %dma_wait3A_139 = tpu.memref_slice %arg3[%add3A, %dma_wait3A_138] : memref<32x16xf32, #tpu.memory_space<hbm>> -> memref<1x16xf32, #tpu.memory_space<hbm>>
      %dma_wait3A_140 = tpu.memref_squeeze %dma_wait3A_139 : memref<1x16xf32, #tpu.memory_space<hbm>> -> memref<16xf32, #tpu.memory_space<hbm>>
      tpu.wait_dma2 semaphore(%run_scoped3A : memref<!tpu.dma_semaphore, #tpu.memory_space<semaphore_mem>>) src(%arg14 : memref<16xf32, #tpu.memory_space<vmem>>) dst(%dma_wait3A_140 : memref<16xf32, #tpu.memory_space<hbm>>)
      tpu.yield
    }) : () -> ()
    return
  }
}

module attributes {stable_mosaic.version = 14 : i64} {
  func.func @body(%arg0: memref<32x16xf32, #tpu.memory_space<vmem>>, %arg1: memref<16x32xf32, #tpu.memory_space<vmem>>, %arg2: memref<1x3xf32, #tpu.memory_space<vmem>>, %arg3: memref<3x32xf32, #tpu.memory_space<vmem>>) attributes {dimension_semantics = [], scalar_prefetch = 0 : i64, scratch_operands = 0 : i64, tpu.core_type = #tpu.core_type<tc>} {
    %get3A = arith.constant 0 : index
    %get3A_0 = arith.constant 0 : index
    %get3A_1 = vector.load %arg0[%get3A, %get3A_0] : memref<32x16xf32, #tpu.memory_space<vmem>>, vector<32x16xf32>
    %get3A_2 = arith.constant 0 : index
    %get3A_3 = arith.constant 0 : index
    %get3A_4 = vector.load %arg1[%get3A_2, %get3A_3] : memref<16x32xf32, #tpu.memory_space<vmem>>, vector<16x32xf32>
    %reduce_sum3A = arith.constant dense<0.000000e+00> : vector<16xf32>
    %reduce_sum3A_5 = vector.multi_reduction <add>, %get3A_1, %reduce_sum3A [0] : vector<32x16xf32> to vector<16xf32>
    %broadcast_in_dim3A = vector.shape_cast %reduce_sum3A_5 : vector<16xf32> to vector<1x16xf32>
    %slice3A = vector.extract_strided_slice %broadcast_in_dim3A {offsets = [0, 0], sizes = [1, 3], strides = [1, 1]} : vector<1x16xf32> to vector<1x3xf32>
    %swap3A = arith.constant 0 : index
    %swap3A_6 = arith.constant 0 : index
    %swap3A_7 = vector.load %arg2[%swap3A, %swap3A_6] : memref<1x3xf32, #tpu.memory_space<vmem>>, vector<1x3xf32>
    tpu.vector_store %arg2[%swap3A, %swap3A_6], %slice3A {strides = array<i32>} : memref<1x3xf32, #tpu.memory_space<vmem>>, vector<1x3xf32>,
    %slice3A_8 = vector.extract_strided_slice %get3A_4 {offsets = [0, 0], sizes = [1, 32], strides = [1, 1]} : vector<16x32xf32> to vector<1x32xf32>
    %slice3A_9 = vector.extract_strided_slice %get3A_4 {offsets = [1, 0], sizes = [1, 32], strides = [1, 1]} : vector<16x32xf32> to vector<1x32xf32>
    %add3A = arith.addf %slice3A_8, %slice3A_9 : vector<1x32xf32>
    %slice3A_10 = vector.extract_strided_slice %get3A_4 {offsets = [2, 0], sizes = [1, 32], strides = [1, 1]} : vector<16x32xf32> to vector<1x32xf32>
    %add3A_11 = arith.addf %add3A, %slice3A_10 : vector<1x32xf32>
    %slice3A_12 = vector.extract_strided_slice %get3A_4 {offsets = [3, 0], sizes = [1, 32], strides = [1, 1]} : vector<16x32xf32> to vector<1x32xf32>
    %add3A_13 = arith.addf %add3A_11, %slice3A_12 : vector<1x32xf32>
    %slice3A_14 = vector.extract_strided_slice %get3A_1 {offsets = [0, 1], sizes = [32, 1], strides = [1, 1]} : vector<32x16xf32> to vector<32x1xf32>
    %slice3A_15 = vector.extract_strided_slice %get3A_1 {offsets = [0, 2], sizes = [32, 1], strides = [1, 1]} : vector<32x16xf32> to vector<32x1xf32>
    %add3A_16 = arith.addf %slice3A_14, %slice3A_15 : vector<32x1xf32>
    %slice3A_17 = vector.extract_strided_slice %get3A_1 {offsets = [0, 3], sizes = [32, 1], strides = [1, 1]} : vector<32x16xf32> to vector<32x1xf32>
    %add3A_18 = arith.addf %add3A_16, %slice3A_17 : vector<32x1xf32>
    %slice3A_19 = vector.extract_strided_slice %get3A_1 {offsets = [0, 4], sizes = [32, 1], strides = [1, 1]} : vector<32x16xf32> to vector<32x1xf32>
    %add3A_20 = arith.addf %add3A_18, %slice3A_19 : vector<32x1xf32>
    %slice3A_21 = vector.extract_strided_slice %get3A_1 {offsets = [0, 2], sizes = [32, 1], strides = [1, 1]} : vector<32x16xf32> to vector<32x1xf32>
    %slice3A_22 = vector.extract_strided_slice %get3A_1 {offsets = [0, 3], sizes = [32, 1], strides = [1, 1]} : vector<32x16xf32> to vector<32x1xf32>
    %add3A_23 = arith.addf %slice3A_21, %slice3A_22 : vector<32x1xf32>
    %slice3A_24 = vector.extract_strided_slice %get3A_1 {offsets = [0, 4], sizes = [32, 1], strides = [1, 1]} : vector<32x16xf32> to vector<32x1xf32>
    %add3A_25 = arith.addf %add3A_23, %slice3A_24 : vector<32x1xf32>
    %slice3A_26 = vector.extract_strided_slice %get3A_1 {offsets = [0, 5], sizes = [32, 1], strides = [1, 1]} : vector<32x16xf32> to vector<32x1xf32>
    %add3A_27 = arith.addf %add3A_25, %slice3A_26 : vector<32x1xf32>
    %iota3A = tpu.iota {dimensions = array<i32: 0>} : vector<32x32xi32>
    %iota3A_28 = tpu.iota {dimensions = array<i32: 1>} : vector<32x32xi32>
    %shift_right_arithmetic3A = arith.constant 1 : i32
    %shift_right_arithmetic3A_29 = vector.broadcast %shift_right_arithmetic3A : i32 to vector<32x32xi32>
    %shift_right_arithmetic3A_30 = arith.shrsi %iota3A, %shift_right_arithmetic3A_29 : vector<32x32xi32>
    %eq3A = arith.cmpi eq, %shift_right_arithmetic3A_30, %iota3A_28 : vector<32x32xi32>
    %convert_element_type3A = arith.extui %eq3A : vector<32x32xi1> to vector<32x32xi32>
    %convert_element_type3A_31 = arith.sitofp %convert_element_type3A : vector<32x32xi32> to vector<32x32xf32>
    %shift_right_arithmetic3A_32 = arith.constant 2 : i32
    %shift_right_arithmetic3A_33 = vector.broadcast %shift_right_arithmetic3A_32 : i32 to vector<32x32xi32>
    %shift_right_arithmetic3A_34 = arith.shrsi %iota3A, %shift_right_arithmetic3A_33 : vector<32x32xi32>
    %eq3A_35 = arith.cmpi eq, %shift_right_arithmetic3A_34, %iota3A_28 : vector<32x32xi32>
    %convert_element_type3A_36 = arith.extui %eq3A_35 : vector<32x32xi1> to vector<32x32xi32>
    %convert_element_type3A_37 = arith.sitofp %convert_element_type3A_36 : vector<32x32xi32> to vector<32x32xf32>
    %mul3A = vector.broadcast %add3A_20 : vector<32x1xf32> to vector<32x32xf32>
    %mul3A_38 = arith.mulf %mul3A, %convert_element_type3A_31 : vector<32x32xf32>
    %reduce_sum3A_39 = arith.constant dense<0.000000e+00> : vector<32xf32>
    %reduce_sum3A_40 = vector.multi_reduction <add>, %mul3A_38, %reduce_sum3A_39 [0] : vector<32x32xf32> to vector<32xf32>
    %broadcast_in_dim3A_41 = vector.shape_cast %reduce_sum3A_40 : vector<32xf32> to vector<1x32xf32>
    %mul3A_42 = vector.broadcast %add3A_27 : vector<32x1xf32> to vector<32x32xf32>
    %mul3A_43 = arith.mulf %mul3A_42, %convert_element_type3A_37 : vector<32x32xf32>
    %reduce_sum3A_44 = arith.constant dense<0.000000e+00> : vector<32xf32>
    %reduce_sum3A_45 = vector.multi_reduction <add>, %mul3A_43, %reduce_sum3A_44 [0] : vector<32x32xf32> to vector<32xf32>
    %broadcast_in_dim3A_46 = vector.shape_cast %reduce_sum3A_45 : vector<32xf32> to vector<1x32xf32>
    %concatenate3A = tpu.concatenate %add3A_13, %broadcast_in_dim3A_41, %broadcast_in_dim3A_46 in 0 : vector<1x32xf32>, vector<1x32xf32>, vector<1x32xf32> -> vector<3x32xf32>
    %swap3A_47 = arith.constant 0 : index
    %swap3A_48 = arith.constant 0 : index
    %swap3A_49 = vector.load %arg3[%swap3A_47, %swap3A_48] : memref<3x32xf32, #tpu.memory_space<vmem>>, vector<3x32xf32>
    tpu.vector_store %arg3[%swap3A_47, %swap3A_48], %concatenate3A {strides = array<i32>} : memref<3x32xf32, #tpu.memory_space<vmem>>, vector<3x32xf32>,
    return
  }
}

</mosaic_0001>

<sc_bundles>
// kernel: kernel.4.cloned.1.call-start
scs
__scs_entry_jumppad:
0x0: {  	(pc) =	sbr.rel $0x88, $3  }
0x1: {  	(tag) =	ssettag $0x0;
	lr =	simm.s32 $0x1  }
0x2: {  	[smem:$0x3FA0] =	sst lr;
	_ =	strace $0xD0000000  }
0x3: {  	_ = 	snop  }
0x4: {  	_ = 	snop  }
0x5: {  	_ = 	snop  }
0x6: {  	_ = 	snop  }
0x7: {  	_ = 	snop  }
__scs_overlays_trampoline_lowered:
0x8: {  	[smem:$0x3FAF] =	sst s0  }
0x9: {  	[smem:$0x3FB0] =	sst s1  }
0xa: {  	[smem:$0x3FB1] =	sst s2  }
0xb: {  	[smem:$0x3FB2] =	sst s3  }
0xc: {  	[smem:$0x3FB3] =	sst s4  }
0xd: {  	[smem:$0x3FB4] =	sst s5  }
0xe: {  	[smem:$0x3FB5] =	sst s6  }
0xf: {  	[smem:$0x3FB6] =	sst s7  }
0x10: {  	[smem:$0x3FB7] =	sst s8  }
0x11: {  	[smem:$0x3FB8] =	sst s9;
	s0 =	simm.s32 @!p0 $0x0  }
0x12: {  	s1 =	sld [smem:$0x3F9E];
	s0 =	simm.s32 @p0 $0x1  }
0x13: {  	[smem:$0x3FB9] =	sst s0;
	s0 =	simm.s32 @!p1 $0x0  }
0x14: {  	s2 =	sld [smem:$0x3F9D];
	s0 =	simm.s32 @p1 $0x1  }
0x15: {  	[smem:$0x3FBA] =	sst s0;
	s0 =	simm.s32 @!p2 $0x0  }
0x16: {  	s3 =	sld [smem:$0x3FDB];
	s0 =	simm.s32 @p2 $0x1  }
0x17: {  	s4 =	simm.s32 $0x1BF5;
	[smem:$0x3FBC] =	sst s0  }
0x18: {  	s0 =	sld [smem:$0x3F9F];
	_ =	swait.ge [sflag:s4], $0x0  }
0x19: {  	s7 =	sld [smem:$0x3FA0]  }
0x1a: {  	s8 =	sadd.s32 $0xFFFFE003, lr  }
0x1b: {  	s9 =	sadd.s32 $0xFFFFFEF7, lr;
	s5 =	simm.s32 $0xFFFFFFFF;
	p2 =	slt.u32 s8, $0xFFFFF086  }
0x1c: {  	p1 =	slt.u32 s9, $0xF7A;
	s5 =	simm.s32 @!p2 $0x0  }
0x1d: {  	s5 =	simm.s32 @p1 $0x1;
	p0 =	seq.s32 s7, s2  }
0x1e: {  	s7 =	smul.u32 @!p0 $0xF7A, s2;
	p2 =	seq.s32 @!p0 s5, $0x0  }
0x1f: {  	s9 =	smul.u32 $0xF7A, s1;
	s8 =	simm.s32 @!p0 $0x1BF5;
	p2 =	por !p2, p0  }
0x20: {  	[sflag:s8] =	ssyncset.s32 @!p0 $0xFFFFF086;
	s6 =	sadd.s32 @!p0 s3, s7;
	s7 =	simm.s32 @!p0 $0x108  }
0x21: {  	s3 =	sadd.s32 s3, s9;
	s6 =	sadd.s32 @!p0 $0x88, s6;
	s7 =	simm.s32 @p2 $0x1082  }
0x22: {  	[simem:s7], [sflag:s8] =	dma.local @!p0 [hbm:s6], $0xF7A  }
0x23: {  	s9 =	sor.u32 $0xD0000000, s2;
	s6 =	simm.s32 $0x108;
	_ =	swait.ge @!p0 [sflag:s8], $0x0  }
0x24: {  	s3 =	sadd.s32 $0x88, s3;
	s6 =	simm.s32 @!p1 $0x1082;
	[sflag:s4] =	ssyncset.s32 $0xFFFFF086  }
0x25: {  	[simem:s6], [sflag:s4] =	dma.local [hbm:s3], $0xF7A  }
0x26: {  	[smem:$0x3FA0] =	sst s1;
	(tag) =	ssettag s2;
	_ =	strace s9  }
0x27: {  	s1 =	sld [smem:$0x3FB0]  }
0x28: {  	s2 =	sld [smem:$0x3FB1]  }
0x29: {  	s4 =	sld [smem:$0x3FB3]  }
0x2a: {  	p0 =	seq.s32 s5, $0x0;
	s5 =	sld [smem:$0x3FB4]  }
0x2b: {  	s6 =	sld [smem:$0x3FB5]  }
0x2c: {  	s7 =	sld [smem:$0x3FB6]  }
0x2d: {  	s3 =	simm.s32 $0x108;
	s8 =	sld [smem:$0x3FB7]  }
0x2e: {  	s3 =	simm.s32 @!p0 $0x1082;
	s9 =	sld [smem:$0x3FB8]  }
0x2f: {  	lr =	sadd.s32 s0, s3;
	s0 =	sld [smem:$0x3FAF]  }
0x30: {  	s3 =	sld [smem:$0x3FB2]  }
0x31: {  	[smem:$0x3FBB] =	sst s10  }
0x32: {  	s10 =	sld [smem:$0x3FB9];
	_ =	sdelay $0x3  }
0x33: {  	p0 =	seq.s32 s10, $0x1;
	s10 =	sld [smem:$0x3FBB];
	_ =	sdelay $0x3  }
0x34: {  	[smem:$0x3FBB] =	sst s10  }
0x35: {  	s10 =	sld [smem:$0x3FBA];
	_ =	sdelay $0x3  }
0x36: {  	p1 =	seq.s32 s10, $0x1;
	s10 =	sld [smem:$0x3FBB];
	_ =	sdelay $0x3  }
0x37: {  	[smem:$0x3FBB] =	sst s10  }
0x38: {  	s10 =	sld [smem:$0x3FBC]  }
0x39: {  	_ = 	snop;
	(pc) =	sbr.ind lr, $3  }
0x3a: {  	_ = 	snop  }
0x3b: {  	_ = 	snop  }
0x3c: {  	p2 =	seq.s32 s10, $0x1;
	s10 =	sld [smem:$0x3FBB]  }
0x3d: {  	_ =	shalt  }
0x3e: {  	_ =	shalt  }
0x3f: {  	_ =	shalt  }
0x40: {  	_ =	shalt  }
0x41: {  	_ =	shalt  }
0x42: {  	_ =	shalt  }
0x43: {  	_ =	shalt  }
0x44: {  	_ =	shalt  }
0x45: {  	_ =	shalt  }
0x46: {  	_ =	shalt  }
0x47: {  	_ =	shalt  }
0x48: {  	_ =	shalt  }
0x49: {  	_ =	shalt  }
0x4a: {  	_ =	shalt  }
0x4b: {  	_ =	shalt  }
0x4c: {  	_ =	shalt  }
0x4d: {  	_ =	shalt  }
0x4e: {  	_ =	shalt  }
0x4f: {  	_ =	shalt  }
0x50: {  	_ =	shalt  }
0x51: {  	_ =	shalt  }
0x52: {  	_ =	shalt  }
0x53: {  	_ =	shalt  }
0x54: {  	_ =	shalt  }
0x55: {  	_ =	shalt  }
0x56: {  	_ =	shalt  }
0x57: {  	_ =	shalt  }
0x58: {  	_ =	shalt  }
0x59: {  	_ =	shalt  }
0x5a: {  	_ =	shalt  }
0x5b: {  	_ =	shalt  }
0x5c: {  	_ =	shalt  }
0x5d: {  	_ =	shalt  }
0x5e: {  	_ =	shalt  }
0x5f: {  	_ =	shalt  }
0x60: {  	_ =	shalt  }
0x61: {  	_ =	shalt  }
0x62: {  	_ =	shalt  }
0x63: {  	_ =	shalt  }
0x64: {  	_ =	shalt  }
0x65: {  	_ =	shalt  }
0x66: {  	_ =	shalt  }
0x67: {  	_ =	shalt  }
0x68: {  	_ =	shalt  }
0x69: {  	_ =	shalt  }
0x6a: {  	_ =	shalt  }
0x6b: {  	_ =	shalt  }
0x6c: {  	_ =	shalt  }
0x6d: {  	_ =	shalt  }
0x6e: {  	_ =	shalt  }
0x6f: {  	_ =	shalt  }
0x70: {  	_ =	shalt  }
0x71: {  	_ =	shalt  }
0x72: {  	_ =	shalt  }
0x73: {  	_ =	shalt  }
0x74: {  	_ =	shalt  }
0x75: {  	_ =	shalt  }
0x76: {  	_ =	shalt  }
0x77: {  	_ =	shalt  }
0x78: {  	_ =	shalt  }
0x79: {  	_ =	shalt  }
0x7a: {  	_ =	shalt  }
0x7b: {  	_ =	shalt  }
0x7c: {  	_ =	shalt  }
0x7d: {  	_ =	shalt  }
0x7e: {  	_ =	shalt  }
0x7f: {  	_ =	shalt  }
0x80: {  	_ =	shalt  }
0x81: {  	_ =	shalt  }
0x82: {  	_ =	shalt  }
0x83: {  	_ =	shalt  }
0x84: {  	_ =	shalt  }
0x85: {  	_ =	shalt  }
0x86: {  	_ =	shalt  }
0x87: {  	_ =	shalt  }
.Lfunc_end0:
.L_simem_size_0:
called_computation_lowered:
.L_overlay_start_0:
0x88: {  	s2 =	sld [smem:$0x3FD9]  }
0x89: {  	s3 =	sld [smem:$0x3FFE];
	_ =	sdelay $0x1  }
0x8a: {  	s1 =	srdreg.scid  }
0x8b: {  	s0 =	sand.u32 $0x1, s1  }
0x8c: {  	s16 =	sshll.u32 s0, $0xA;
	s2 =	sadd.s32 s3, s2  }
0x8d: {  	s2 =	sadd.s32 s2, s16  }
0x8e: {  	[smem:$0x3FC7] =	sst s2  }
0x8f: {  	_ = 	snop  }
0x90: {  	(tm) =	ssettm $0x1  }
0x91: {  	s17 =	sld [smem:$0x3FFB];
	_ =	sdelay $0x3  }
0x92: {  	_ =	strace s17  }
0x93: {  	s2 =	sld [smem:$0x3FFC];
	_ =	sdelay $0x3  }
0x94: {  	_ =	strace s2  }
0x95: {  	s2 =	sld [smem:$0x3FFD];
	_ =	sdelay $0x3  }
0x96: {  	_ =	strace s2  }
0x97: {  	_ =	strace $0x8FFFFFFF  }
0x98: {  	s18 =	sld [smem:$0x3FDB];
	_ =	sdelay $0x1  }
0x99: {  	s19 =	simm.s32 $_scs_section_size  }
0x9a: {  	s4 =	simm.s32 $_size__tile_overlayer_lowered;
	s5 =	simm.s32 $_tile_overlayer_lowered  }
0x9b: {  	s22 =	simm.s32 $0x1BFF;
	s21 =	sshll.u32 s5, $0x1;
	s2 =	sadd.s32 s19, s18  }
0x9c: {  	s6 =	simm.s32 $0x0;
	s20 =	sshll.u32 s4, $0x1;
	s4 =	sadd.s32 s21, s2  }
0x9d: {  	[timem:s6], [sflag:s22] =	dma.local [hbm:s4], s20  }
0x9e: {  	_ =	swait.ge [sflag:s22], s20  }
0x9f: {  	s3 =	ssub.s32 $0x0, s20;
	[sflag:s22] =	ssyncset.done $0x0  }
0xa0: {  	[sflag:s22] =	ssyncadd.s32 s3;
	_ =	sdelay $0x1  }
0xa1: {  	s23 =	simm.s32 $0x1B8B  }
0xa2: {  	_ =	swait.ge [sflag:s23], $0x1  }
0xa3: {  	[sflag:s23] =	ssyncset.done $0x0  }
0xa4: {  	s25 =	simm.s32 $0x1B8E;
	s24 =	sld [smem:$0x3FFE];
	[sflag:s23] =	ssyncadd.s32 $0xFFFFFFFF  }
0xa5: {  	s26 =	simm.s32 $execute0_lowered;
	[smem:$0x3FD2] =	sst s25  }
0xa6: {  	s4 =	sshll.u32 s26, $0x1;
	_ =	strace $0x80000046;
	[dreg:$0x1] =	wrdreg $0xFFFFFFFF  }
0xa7: {  	s28 =	simm.s32 $_size_execute0_lowered;
	s2 =	sadd.s32 s2, s4;
	[dreg:$0x0] =	wrdreg $0x0  }
0xa8: {  	s4 =	sshll.u32 s28, $0x1;
	[dreg:$0x2] =	wrdreg s2  }
0xa9: {  	[dreg:$0x3] =	wrdreg s4  }
0xaa: {  	[dreg:$0x4] =	wrdreg $0xC0  }
0xab: {  	_ =	task [dreg:s6], $0x5FFFF  }
0xac: {  	[dreg:$0x1] =	wrdreg $0xFFFFFFFF  }
0xad: {  	[dreg:$0x0] =	wrdreg $0x60  }
0xae: {  	[dreg:$0x2] =	wrdreg s24  }
0xaf: {  	[dreg:$0x3] =	wrdreg $0x0  }
0xb0: {  	[dreg:$0x4] =	wrdreg $0x9  }
0xb1: {  	_ =	task.clear_ibuf [dreg:s6], $0x5FFFF;
	_ =	strace $0x90000046  }
0xb2: {  	s29 =	simm.s32 $0x9;
	_ =	strace $0x80000048  }
0xb3: {  	_ =	swait.ge [sflag:s29], $0x1  }
0xb4: {  	[sflag:s29] =	ssyncadd.s32 $0xFFFFFFFF  }
0xb5: {  	_ =	strace $0x90000048  }
0xb6: {  	_ =	sfence  }
0xb7: {  	s30 =	sld [smem:$0x0];
	_ =	sdelay $0x2  }
0xb8: {  	s31 =	sshll.u32 s1, $0xD;
	s1 =	sshrl.u32 s1, $0x2  }
0xb9: {  	s3 =	sand.u32 $0x4000, s31;
	s1 =	sadd.s32 s1, s30  }
0xba: {  	s0 =	sor.u32 s3, s0;
	s1 =	sshll.u32 s1, $0x11  }
0xbb: {  	s0 =	sor.u32 s1, s0  }
0xbc: {  	s0 =	sadd.s32 $0x8F2B, s0  }
0xbd: {  	[sflag:s0] =	ssyncadd.remote.s32 $0x1  }
0xbe: {  	_ =	sfence.sel $0xFFFF  }
0xbf: {  	[dreg:$0x0] =	wrdreg $0xFFFFFFFF;
	(pc) =	sbr.abs _section_cstart, $3  }
0xc0: {  	[dreg:$0x1] =	wrdreg $0xFFFFFFFF  }
0xc1: {  	_ =	task.clear_ibuf [dreg:s6], $0x2FFFF;
	_ =	strace $0x9FFFFFFF  }
0xc2: {  	(tm) =	ssettm $0x7FFFFFFF  }
0xc3: {  	_ =	shalt  }
tec
execute0_lowered:
.L_overlay_start_1:
0x0: {  	(tag) =	ssettag $0x1  }
0x1: {  	s0 =	rddreg [dreg:$0x0]  }
0x2: {  	s2 =	rddreg [dreg:$0x1]  }
0x3: {  	s6 =	stileid.u32;
	s4 =	simm.s32 $0x0;
	s25 =	srdreg.scid  }
0x4: {  	s13 =	simm.s32 $0x3200;
	s14 =	simm.s32 $0x3;
	s16 =	simm.s32 $0x4  }
0x5: {  	s17 =	simm.s32 $0x1;
	s18 =	simm.s32 $0x12C00;
	[smem:$0x7FF] =	sst s4  }
0x6: {  	v0 =	vimm.f32 $1.000000010e-01;
	s19 =	simm.s32 $0x2;
	s20 =	simm.s32 $0x1AC80;
	_ =	strace $0x80000047  }
0x7: {  	s21 =	simm.s32 $0x1CC80;
	s22 =	simm.s32 $0x1D480;
	s23 =	simm.s32 $0x1D680;
	(erf) = vrcp.f32 v0;
	v0 =	vlaneseq.u32  }
0x8: {  	s1 =	sshrl.u32 s6, $0x3;
	s3 =	sshll.u32 s6, $0x7;
	s26 =	sand.u32 $0x1, s25;
	v0 =	vmul.u32 $0x2, v0  }
0x9: {  	s28 =	sshll.u32 s6, $0x1;
	s8 =	smul.u32 $0x3200, s6;
	s9 =	sadd.s32 $0x3200, s2  }
0xa: {  	s10 =	sadd.s32 $0x6400, s2;
	s1 =	smul.u32 $0x32000, s1;
	s4 =	sor.u32 s26, s28;
	v49 =	vor.u32 $0x21, v0  }
0xb: {  	v2 =	vimm.f32 $0.0e+00;
	v7 =	vimm.f32 $1.000000000e+00;
	s25 =	simm.s32 $0x0;
	s3 =	sand.u32 $0x380, s3;
	s5 =	sshll.u32 s4, $0x4;
	v50 =	vor.u32 $0x41, v0;
	[tilespmem:$0x1FFA0] =	vst v49  }
0xc: {  	vm0 =	vmmov $0x1;
	vm1 =	vcmask $0x318;
	s30 =	sshll.u32 s4, $0xF;
	s31 =	sadd.s32 s8, s2;
	s1 =	sor.u32 s3, s1;
	v51 =	vor.u32 $0x61, v0;
	[tilespmem:$0x1FFB0] =	vst v50  }
0xd: {  	vm2 =	vcmask $0x718;
	vm3 =	vcmask $0xB18;
	s8 =	sor.u32 $0x70, s8;
	s3 =	ssub.s32 $0x2, s26;
	s1 =	sshrl.u32 s1, $0x3;
	v13 =	vor.u32 $0x200, v0;
	[tilespmem:$0x1FFC0] =	vst v51  }
0xe: {  	vm4 =	vcmask $0xF18;
	vm5 =	vcmask $0x1318;
	[dreg:$0x4] =	wrdreg s31;
	s29 =	sshrl.u32 s3, $0x1;
	s1 =	sadd.s32 s1, s0;
	v54 =	vor.u32 $0x201, v0;
	[tilespmem:$0x1FFD0] =	vst v13  }
0xf: {  	v1 =	vmov s30;
	s0 =	sadd.s32 s5, s0;
	s3 =	ssub.s32 s3, s29;
	v3 =	vor.u32 $0x1, v0;
	v12 =	vor.u32 $0xFFFFFF80, v0;
	s1 =	sadd.s32 $0x600, s1;
	[tilespmem:$0x1FFE0] =	vst v54  }
0x10: {  	v53 =	vor.u32 $0x400, v0;
	v10 =	vor.u32 $0xFFFFFF00, v0;
	v59 =	vor.u32 $0x401, v0;
	s6 =	sadd.s32 $0xCE00, s0;
	s7 =	smax.u32 s3, $0x1;
	[tilespmem:$0x1FFF0] =	vst v12;
	[dreg:$0x3] =	wrdreg s1;
	v14 =	vpop (erf)  }
.LBB2_1:
0x11: {  	s0 =	rddreg [dreg:$0x3];
	s1 =	simm.s32 $0x80;
	s3 =	simm.s32 $0x400  }
0x12: {  	[tilespmem:s13], [sflag:$0x3] =	stream.strided.gather [hbm4b:s0+s1], $0x6400, s3, s1, $0x38;
	[tilespmem:$0x1D800] =	vst v63  }
0x13: {  	s0 =	simm.s32 $0x12C80  }
0x14: {  	[tilespmem:s0+$0xFFFFFF80] =	vst v2  }
0x15: {  	[tilespmem:s0+$0x70] =	vst v2  }
0x16: {  	[tilespmem:s0+$0x60] =	vst v2  }
0x17: {  	[tilespmem:s0+$0x50] =	vst v2  }
0x18: {  	[tilespmem:s0+$0x40] =	vst v2  }
0x19: {  	[tilespmem:s0+$0x30] =	vst v2  }
0x1a: {  	[tilespmem:s0+$0x20] =	vst v2  }
0x1b: {  	[tilespmem:s0+$0x10] =	vst v2  }
0x1c: {  	[tilespmem:s0+$0x0] =	vst v2  }
0x1d: {  	[tilespmem:s0+$0xFFFFFFF0] =	vst v2  }
0x1e: {  	[tilespmem:s0+$0xFFFFFFE0] =	vst v2  }
0x1f: {  	[tilespmem:s0+$0xFFFFFFD0] =	vst v2  }
0x20: {  	[tilespmem:s0+$0xFFFFFFC0] =	vst v2  }
0x21: {  	[tilespmem:s0+$0xFFFFFFB0] =	vst v2  }
0x22: {  	s1 =	simm.s32 $0x0;
	[tilespmem:s0+$0xFFFFFFA0] =	vst v2  }
.LBB2_2:
0x23: {  	s1 =	sadd.s32 $0x10, s1;
	[tilespmem:s0+$0xFFFFFF90] =	vst v2;
	s0 =	sadd.s32 $0x100, s0  }
0x24: {  	[tilespmem:s0+$0xFFFFFF80] =	vst v2;
	p0 =	slt.u32 s1, $0x7F0  }
0x25: {  	[tilespmem:s0+$0x70] =	vst v2  }
0x26: {  	[tilespmem:s0+$0x60] =	vst v2  }
0x27: {  	[tilespmem:s0+$0x50] =	vst v2  }
0x28: {  	[tilespmem:s0+$0x40] =	vst v2  }
0x29: {  	[tilespmem:s0+$0x30] =	vst v2  }
0x2a: {  	[tilespmem:s0+$0x20] =	vst v2  }
0x2b: {  	[tilespmem:s0+$0x10] =	vst v2  }
0x2c: {  	[tilespmem:s0+$0x0] =	vst v2  }
0x2d: {  	[tilespmem:s0+$0xFFFFFFF0] =	vst v2  }
.Ltmp0:
0x2e: {  	[tilespmem:s0+$0xFFFFFFE0] =	vst v2;
	(pc) =	sbr.rel @p0 .LBB2_2-.Ltmp0, $4  }
0x2f: {  	[tilespmem:s0+$0xFFFFFFD0] =	vst v2  }
0x30: {  	[tilespmem:s0+$0xFFFFFFC0] =	vst v2  }
0x31: {  	[tilespmem:s0+$0xFFFFFFB0] =	vst v2  }
0x32: {  	[tilespmem:s0+$0xFFFFFFA0] =	vst v2  }
0x33: {  	s1 =	simm.s32 $0x0  }
0x34: {  	s3 =	simm.s32 $0xE0;
	v15 =	vor.u32 s1, v3  }
0x35: {  	[tilespmem:s0+$0xFFFFFF90] =	vst v2;
	v16 =	vor.u32 s3, v51  }
0x36: {  	s4 =	simm.s32 $0x20;
	_ =	swait.ge [sflag:s14], $0x6400;
	v17 =	vor.u32 s3, v0  }
0x37: {  	s5 =	simm.s32 $0x40;
	v18 =	vor.u32 s4, v49;
	[sflag:s14] =	ssyncset.done $0x0  }
0x38: {  	s11 =	simm.s32 $0x60;
	v19 =	vor.u32 s5, v50;
	[sflag:s14] =	ssyncadd.s32 $0xFFFF9C00  }
0x39: {  	s12 =	simm.s32 $0x80;
	v20 =	vor.u32 s11, v51;
	v15 =	vld.idx.msk [tilespmem:v15+s13+$0x0], $0xffff  }
0x3a: {  	s15 =	simm.s32 $0xA0;
	v21 =	vor.u32 s12, v3;
	v16 =	vld.idx.msk [tilespmem:v16+s13+$0x0], $0xffff  }
0x3b: {  	s26 =	simm.s32 $0xC0;
	v22 =	vor.u32 s15, v49;
	v17 =	vld.idx.msk [tilespmem:v17+s13+$0x0], $0xffff  }
0x3c: {  	v23 =	vor.u32 s26, v50;
	v18 =	vld.idx.msk [tilespmem:v18+s13+$0x0], $0xffff  }
0x3d: {  	v24 =	vor.u32 s4, v0;
	v19 =	vld.idx.msk [tilespmem:v19+s13+$0x0], $0xffff  }
0x3e: {  	v20 =	vld.idx.msk [tilespmem:v20+s13+$0x0], $0xffff  }
0x3f: {  	v21 =	vld.idx.msk [tilespmem:v21+s13+$0x0], $0xffff  }
0x40: {  	v25 =	vor.u32 s5, v0;
	v22 =	vld.idx.msk [tilespmem:v22+s13+$0x0], $0xffff  }
0x41: {  	v26 =	vor.u32 s11, v0;
	v28 =	vor.u32 s12, v0;
	v23 =	vld.idx.msk [tilespmem:v23+s13+$0x0], $0xffff;
	v15 =	vadd.f32 $5.120000080e+01, v15  }
0x42: {  	v29 =	vor.u32 s15, v0;
	v24 =	vld.idx.msk [tilespmem:v24+s13+$0x0], $0xffff;
	v16 =	vadd.f32 $5.120000080e+01, v16;
	v17 =	vadd.f32 $5.120000080e+01, v17  }
0x43: {  	v30 =	vor.u32 s26, v0;
	v18 =	vadd.f32 $5.120000080e+01, v18;
	v19 =	vadd.f32 $5.120000080e+01, v19  }
0x44: {  	v20 =	vadd.f32 $5.120000080e+01, v20;
	v21 =	vadd.f32 $5.120000080e+01, v21;
	v15 =	vmul.f32 v15, v14  }
0x45: {  	v22 =	vadd.f32 $5.120000080e+01, v22;
	v16 =	vmul.f32 v16, v14;
	v17 =	vmul.f32 v17, v14  }
0x46: {  	v23 =	vadd.f32 $5.120000080e+01, v23;
	v18 =	vmul.f32 v18, v14;
	v19 =	vmul.f32 v19, v14  }
0x47: {  	v24 =	vadd.f32 $5.120000080e+01, v24;
	v20 =	vmul.f32 v20, v14;
	v31 =	vtrunc.f32 v15;
	v15 =	vld.idx.msk [tilespmem:v25+s13+$0x0], $0xffff  }
0x48: {  	v21 =	vmul.f32 v21, v14;
	v22 =	vmul.f32 v22, v14;
	v25 =	vld.idx.msk [tilespmem:v26+s13+$0x0], $0xffff  }
0x49: {  	v24 =	vmul.f32 v24, v14;
	v23 =	vmul.f32 v23, v14;
	v26 =	vld.idx.msk [tilespmem:v28+s13+$0x0], $0xffff  }
0x4a: {  	v27 =	vor.u32 s1, v0;
	v16 =	vtrunc.f32 v16;
	v17 =	vtrunc.f32 v17;
	v28 =	vld.idx.msk [tilespmem:v29+s13+$0x0], $0xffff  }
0x4b: {  	v29 =	vld.idx.msk [tilespmem:v30+s13+$0x0], $0xffff;
	v30 =	vtrunc.f32 v18;
	v19 =	vtrunc.f32 v19  }
0x4c: {  	v20 =	vtrunc.f32 v20;
	v21 =	vtrunc.f32 v21  }
0x4d: {  	v22 =	vtrunc.f32 v22;
	v24 =	vtrunc.f32 v24  }
0x4e: {  	v16 =	vcvt.f32.s32 v16;
	v17 =	vcvt.f32.s32 v17  }
0x4f: {  	v27 =	vld.idx.msk [tilespmem:v27+s13+$0x0], $0xffff;
	v19 =	vcvt.f32.s32 v19;
	v33 =	vcvt.f32.s32 v20  }
0x50: {  	v34 =	vcvt.f32.s32 v21;
	v16 =	vshll.u32 v16, $0xA;
	v15 =	vadd.f32 $5.120000080e+01, v15  }
0x51: {  	s0 =	simm.s32 $0x0;
	p0 =	slt.u32 s8, $0x30D40;
	v16 =	vor.u32 v17, v16;
	v17 =	vcvt.f32.s32 v30;
	v25 =	vadd.f32 $5.120000080e+01, v25  }
0x52: {  	s24 =	sadd.s32 $0xFFFFFFC0, s8;
	s30 =	sadd.s32 $0xFFFFFFD0, s8;
	s28 =	sadd.s32 $0xFFFFFFE0, s8;
	v18 =	vadd.f32 $5.120000080e+01, v28;
	v32 =	vmul.f32 v15, v14;
	v15 =	vadd.f32 $5.120000080e+01, v26  }
0x53: {  	s31 =	sadd.s32 $0xFFFFFFF0, s8;
	s29 =	smov.u32 s8;
	s26 =	simm.s32 $0x9640;
	v30 =	vpsel !p0, $0xFFFFFFFF, v16;
	v16 =	vcvt.f32.s32 v31;
	v25 =	vmul.f32 v25, v14  }
0x54: {  	s11 =	sadd.s32 $0xFFFFFF90, s8;
	s12 =	sadd.s32 $0xFFFFFFA0, s8;
	p1 =	slt.u32 s28, $0x30D40;
	v26 =	vadd.f32 $5.120000080e+01, v27;
	v28 =	vmul.f32 v15, v14;
	v15 =	vadd.f32 $5.120000080e+01, v29  }
0x55: {  	s15 =	sadd.s32 $0xFFFFFFB0, s8;
	p5 =	slt.u32 s24, $0x30D40;
	p1 =	por p1, p1;
	v29 =	vmul.f32 v18, v14;
	v27 =	vtrunc.f32 v32  }
0x56: {  	p2 =	slt.u32 s31, $0x30D40;
	p4 =	slt.u32 s30, $0x30D40;
	s1 =	simm.s32 @!p1 $0x0;
	v19 =	vshll.u32 v19, $0xA;
	v18 =	vmul.f32 v15, v14;
	v15 =	vmul.f32 v26, v14  }
0x57: {  	s28 =	simm.s32 $0x100;
	p3 =	slt.u32 s12, $0x30D40;
	s1 =	simm.s32 @p1 $0x1;
	v21 =	vshll.u32 v33, $0xA;
	v26 =	vtrunc.f32 v23;
	v23 =	vcvt.f32.s32 v22  }
0x58: {  	p6 =	slt.u32 s15, $0x30D40;
	[smem:$0x7FD] =	sst s1;
	p0 =	slt.u32 s11, $0x30D40;
	v17 =	vshll.u32 v17, $0xA;
	v28 =	vtrunc.f32 v28;
	v20 =	vcvt.f32.s32 v26  }
0x59: {  	p2 =	por p2, p2;
	s1 =	simm.s32 $0x9640;
	[tilespmem:s26+$0x30] =	vst v30;
	p1 =	por p0, p0;
	v22 =	vshll.u32 v34, $0xA;
	v26 =	vtrunc.f32 v25;
	v25 =	vtrunc.f32 v29  }
.LBB2_4:
0x5a: {  	v30 =	vor.u32 s28, v3;
	s11 =	sadd.s32 $0xE0, s28  }
0x5b: {  	v33 =	vor.u32 s11, v51  }
0x5c: {  	s3 =	sadd.s32 $0x20, s28;
	v36 =	vor.u32 s11, v0  }
0x5d: {  	v29 =	vor.u32 s28, v0;
	s5 =	sadd.s32 $0x40, s28;
	v32 =	vor.u32 s3, v49  }
0x5e: {  	s12 =	sadd.s32 $0x60, s28;
	v15 =	vtrunc.f32 v15;
	v24 =	vcvt.f32.s32 v24;
	v34 =	vor.u32 s5, v50  }
0x5f: {  	s15 =	sadd.s32 $0x80, s28;
	v27 =	vcvt.f32.s32 v27;
	v26 =	vcvt.f32.s32 v26;
	v35 =	vor.u32 s12, v51;
	v30 =	vld.idx.msk [tilespmem:v30+s13+$0x0], $0xffff  }
0x60: {  	s30 =	sadd.s32 $0xA0, s28;
	v28 =	vcvt.f32.s32 v28;
	v25 =	vcvt.f32.s32 v25;
	v37 =	vor.u32 s15, v3;
	v33 =	vld.idx.msk [tilespmem:v33+s13+$0x0], $0xffff  }
0x61: {  	s31 =	sadd.s32 $0xC0, s28;
	v18 =	vtrunc.f32 v18;
	v31 =	vor.u32 s3, v0;
	v38 =	vor.u32 s30, v49;
	v36 =	vld.idx.msk [tilespmem:v36+s13+$0x0], $0xffff  }
0x62: {  	v39 =	vor.u32 s31, v50;
	v40 =	vor.u32 s5, v0;
	v41 =	vor.u32 s12, v0;
	v32 =	vld.idx.msk [tilespmem:v32+s13+$0x0], $0xffff  }
0x63: {  	v42 =	vor.u32 s15, v0;
	v23 =	vshll.u32 v23, $0xA;
	v20 =	vshll.u32 v20, $0xA;
	v34 =	vld.idx.msk [tilespmem:v34+s13+$0x0], $0xffff  }
0x64: {  	v16 =	vshll.u32 v16, $0xA;
	v15 =	vcvt.f32.s32 v15;
	v17 =	vor.u32 v24, v17;
	v24 =	vld.idx.msk [tilespmem:v35+s13+$0x0], $0xffff  }
0x65: {  	v18 =	vcvt.f32.s32 v18;
	v19 =	vor.u32 v27, v19;
	v21 =	vor.u32 v26, v21;
	v26 =	vld.idx.msk [tilespmem:v37+s13+$0x0], $0xffff  }
0x66: {  	v22 =	vor.u32 v28, v22;
	v16 =	vor.u32 v15, v16;
	v17 =	vpsel !p3, $0xFFFFFFFF, v17;
	v15 =	vld.idx.msk [tilespmem:v38+s13+$0x0], $0xffff  }
0x67: {  	v23 =	vor.u32 v25, v23;
	v20 =	vor.u32 v18, v20;
	v27 =	vld.idx.msk [tilespmem:v39+s13+$0x0], $0xffff;
	[tilespmem:s26+$0xFFFFFFD0] =	vst v17;
	v25 =	vadd.f32 $5.120000080e+01, v30  }
0x68: {  	v17 =	vpsel !p5, $0xFFFFFFFF, v21;
	v21 =	vld.idx.msk [tilespmem:v31+s13+$0x0], $0xffff;
	v18 =	vadd.f32 $5.120000080e+01, v33;
	v28 =	vadd.f32 $5.120000080e+01, v36  }
0x69: {  	v43 =	vor.u32 s30, v0;
	v30 =	vadd.f32 $5.120000080e+01, v32;
	v31 =	vadd.f32 $5.120000080e+01, v34  }
0x6a: {  	v24 =	vadd.f32 $5.120000080e+01, v24;
	v26 =	vadd.f32 $5.120000080e+01, v26;
	v25 =	vmul.f32 v25, v14  }
0x6b: {  	v15 =	vadd.f32 $5.120000080e+01, v15;
	v18 =	vmul.f32 v18, v14;
	v28 =	vmul.f32 v28, v14  }
0x6c: {  	s0 =	sadd.s32 $0x8, s0;
	s29 =	sadd.s32 $0x80, s29;
	v29 =	vld.idx.msk [tilespmem:v29+s13+$0x0], $0xffff;
	[tilespmem:s26+$0xFFFFFFF0] =	vst v17;
	v27 =	vadd.f32 $5.120000080e+01, v27;
	v17 =	vmul.f32 v30, v14;
	v31 =	vmul.f32 v31, v14  }
0x6d: {  	p0 =	slt.u32 s0, $0x318;
	s11 =	sadd.s32 $0xFFFFFF90, s29;
	v21 =	vadd.f32 $5.120000080e+01, v21;
	v24 =	vmul.f32 v24, v14;
	v26 =	vmul.f32 v26, v14  }
0x6e: {  	s12 =	sadd.s32 $0xFFFFFFA0, s29;
	s15 =	sadd.s32 $0xFFFFFFC0, s29;
	s4 =	simm.s32 @!p0 $0x0;
	v19 =	vpsel !p6, $0xFFFFFFFF, v19;
	v15 =	vmul.f32 v15, v14;
	v27 =	vmul.f32 v27, v14  }
0x6f: {  	s5 =	sadd.s32 $0xFFFFFFE0, s29;
	s4 =	simm.s32 @p0 $0x1;
	p0 =	slt.u32 s11, $0x30D40;
	[tilespmem:s26+$0xFFFFFFE0] =	vst v19;
	v19 =	vpsel !p4, $0xFFFFFFFF, v22;
	v22 =	vtrunc.f32 v25;
	v21 =	vmul.f32 v21, v14  }
0x70: {  	p6 =	slt.u32 s29, $0x30D40;
	[smem:$0x7FC] =	sst s4;
	s3 =	simm.s32 @!p0 $0x0;
	v18 =	vtrunc.f32 v18;
	v28 =	vtrunc.f32 v28  }
0x71: {  	s3 =	simm.s32 @p0 $0x1;
	p0 =	slt.u32 s12, $0x30D40;
	s12 =	sld [smem:$0x7FD];
	v29 =	vadd.f32 $5.120000080e+01, v29;
	v17 =	vtrunc.f32 v17;
	v24 =	vtrunc.f32 v24  }
0x72: {  	v44 =	vor.u32 s31, v0;
	s11 =	sadd.s32 $0xFFFFFFF0, s29;
	s4 =	sadd.s32 $0xFFFFFFB0, s29;
	s31 =	sld [smem:$0x7FC];
	v60 =	vld.idx.msk [tilespmem:v43+s13+$0x0], $0xffff;
	v26 =	vtrunc.f32 v26;
	v62 =	vtrunc.f32 v15  }
0x73: {  	[smem:$0x7FB] =	sst s3;
	s3 =	simm.s32 @!p0 $0x0;
	p4 =	por p2, p2;
	v25 =	vld.idx.msk [tilespmem:v40+s13+$0x0], $0xffff;
	v15 =	vmul.f32 v29, v14;
	v27 =	vtrunc.f32 v27  }
0x74: {  	p2 =	slt.u32 s5, $0x30D40;
	[tilespmem:s26+$0x0] =	vst v19;
	s26 =	sadd.s32 $0x80, s26;
	p5 =	seq.s32 s12, $0x1;
	v30 =	vld.idx.msk [tilespmem:v41+s13+$0x0], $0xffff;
	v18 =	vcvt.f32.s32 v18;
	v28 =	vcvt.f32.s32 v28  }
0x75: {  	s3 =	simm.s32 @p0 $0x1;
	p0 =	slt.u32 s4, $0x30D40;
	s30 =	sld [smem:$0x7FB];
	v19 =	vld.idx.msk [tilespmem:v42+s13+$0x0], $0xffff;
	v23 =	vpsel !p5, $0xFFFFFFFF, v23;
	v17 =	vcvt.f32.s32 v17;
	v29 =	vcvt.f32.s32 v24  }
0x76: {  	v20 =	vpsel !p4, $0xFFFFFFFF, v20;
	[smem:$0x7F9] =	sst s3;
	s4 =	simm.s32 @!p0 $0x0;
	p5 =	por p2, p2;
	[tilespmem:s1+$0x10] =	vst v23;
	v63 =	vcvt.f32.s32 v26;
	v23 =	vcvt.f32.s32 v62  }
0x77: {  	v61 =	vld.idx.msk [tilespmem:v44+s13+$0x0], $0xffff;
	[tilespmem:s1+$0x20] =	vst v20;
	s4 =	simm.s32 @p0 $0x1;
	p0 =	slt.u32 s15, $0x30D40;
	s3 =	simm.s32 @!p5 $0x0;
	v20 =	vcvt.f32.s32 v27;
	v24 =	vtrunc.f32 v21;
	v18 =	vshll.u32 v18, $0xA  }
0x78: {  	s15 =	sld [smem:$0x7F9];
	s3 =	simm.s32 @p5 $0x1;
	p5 =	por p0, p0;
	v17 =	vshll.u32 v17, $0xA;
	v18 =	vor.u32 v28, v18;
	v25 =	vadd.f32 $5.120000080e+01, v25  }
0x79: {  	p0 =	seq.s32 s30, $0x1;
	v28 =	vadd.f32 $5.120000080e+01, v30;
	v30 =	vadd.f32 $5.120000080e+01, v60;
	v18 =	vpsel !p6, $0xFFFFFFFF, v18;
	p6 =	por p1, p1;
	p1 =	slt.u32 s11, $0x30D40  }
0x7a: {  	[tilespmem:s26+$0x30] =	vst v18;
	v25 =	vmul.f32 v25, v14;
	v18 =	vadd.f32 $5.120000080e+01, v19;
	v19 =	vtrunc.f32 v31;
	p2 =	por p1, p1;
	p1 =	por p0, p0;
	p0 =	seq.s32 s31, $0x1  }
.Ltmp1:
0x7b: {  	s24 =	sadd.s32 $0xFFFFFFD0, s29;
	[smem:$0x7FA] =	sst s4;
	v28 =	vmul.f32 v28, v14;
	v30 =	vmul.f32 v30, v14;
	v16 =	vpsel !p6, $0xFFFFFFFF, v16;
	(pc) =	sbr.rel @p0 .LBB2_4-.Ltmp1, $4  }
0x7c: {  	p3 =	slt.u32 s24, $0x30D40;
	s24 =	sld [smem:$0x7FA];
	v21 =	vshll.u32 v29, $0xA;
	v19 =	vcvt.f32.s32 v19;
	[tilespmem:s1+$0xFFFFFFC0] =	vst v16;
	v16 =	vcvt.f32.s32 v22  }
0x7d: {  	v31 =	vmul.f32 v18, v14;
	v18 =	vadd.f32 $5.120000080e+01, v61;
	v27 =	vtrunc.f32 v25  }
0x7e: {  	s28 =	sadd.s32 $0x100, s28;
	p4 =	por p3, p3;
	[smem:$0x7FD] =	sst s3;
	v22 =	vshll.u32 v63, $0xA;
	v26 =	vtrunc.f32 v28;
	v25 =	vtrunc.f32 v30  }
0x7f: {  	p3 =	seq.s32 s15, $0x1;
	p6 =	seq.s32 s24, $0x1;
	s1 =	smov.u32 s26;
	v19 =	vshll.u32 v19, $0xA;
	v18 =	vmul.f32 v18, v14;
	v28 =	vtrunc.f32 v31  }
0x80: {  	v24 =	vcvt.f32.s32 v24  }
0x81: {  	v27 =	vcvt.f32.s32 v27  }
0x82: {  	v26 =	vcvt.f32.s32 v26;
	v17 =	vor.u32 v24, v17  }
0x83: {  	v28 =	vcvt.f32.s32 v28;
	v19 =	vor.u32 v27, v19;
	v17 =	vpsel !p3, $0xFFFFFFFF, v17  }
0x84: {  	v21 =	vor.u32 v26, v21;
	v19 =	vpsel !p6, $0xFFFFFFFF, v19;
	[tilespmem:s26+$0xFFFFFFD0] =	vst v17  }
0x85: {  	v18 =	vtrunc.f32 v18;
	v60 =	vor.u32 v28, v22;
	v21 =	vpsel !p5, $0xFFFFFFFF, v21;
	[tilespmem:s26+$0xFFFFFFE0] =	vst v19  }
0x86: {  	v15 =	vtrunc.f32 v15;
	v58 =	vcvt.f32.s32 v18;
	v18 =	vpsel !p4, $0xFFFFFFFF, v60;
	[tilespmem:s26+$0xFFFFFFF0] =	vst v21  }
0x87: {  	v15 =	vcvt.f32.s32 v15;
	[tilespmem:s26+$0x0] =	vst v18  }
0x88: {  	v16 =	vshll.u32 v16, $0xA;
	s0 =	sld [smem:$0x7FD]  }
0x89: {  	v20 =	vshll.u32 v20, $0xA;
	v57 =	vcvt.f32.s32 v25;
	v15 =	vor.u32 v15, v16  }
0x8a: {  	v23 =	vshll.u32 v23, $0xA;
	v17 =	vor.u32 v58, v20;
	v15 =	vpsel !p1, $0xFFFFFFFF, v15  }
0x8b: {  	v61 =	vor.u32 v57, v23;
	v63 =	vpsel !p2, $0xFFFFFFFF, v17;
	[tilespmem:s1+$0xFFFFFFC0] =	vst v15;
	p0 =	seq.s32 s0, $0x1  }
0x8c: {  	[tilespmem:s1+$0x20] =	vst v63;
	v62 =	vpsel !p0, $0xFFFFFFFF, v61  }
0x8d: {  	[tilespmem:s1+$0x10] =	vst v62  }
0x8e: {  	s30 =	simm.s32 $0x9600;
	s29 =	rddreg [dreg:$0x4]  }
0x8f: {  	[spmem:s29] =	stream.linear.scatter [tilespmem:s30], [sflag:$0x4], $0x3200, $0x38;
	[tilespmem:$0x1D800] =	vst v63  }
0x90: {  	_ =	swait.ge [sflag:s16], $0x3200  }
0x91: {  	[sflag:s16] =	ssyncset.done $0x0  }
0x92: {  	s31 =	sadd.s32 $0x0, s2;
	s26 =	simm.s32 $0x0;
	[sflag:s16] =	ssyncadd.s32 $0xFFFFCE00  }
0x93: {  	s0 =	simm.s32 $0xC800;
	s1 =	simm.s32 $0x200;
	[bflag:$0x0] =	sbarrier.arrive $0xFFFF  }
0x94: {  	[tilespmem:s0], [sflag:$0x1] =	stream.linear.gather [spmem:s31], $0x80, $0x38;
	[tilespmem:$0x1D800] =	vst v63  }
.LBB2_6:
0x95: {  	p0 =	sne.s32 s1, $0xC600  }
.Ltmp2:
0x96: {  	_ = 	snop;
	(pc) =	sbr.rel @p0 .LBB2_6-.Ltmp2, $4  }
0x97: {  	_ = 	snop  }
0x98: {  	s3 =	sshra.s32 s1, $0x2;
	s1 =	sadd.s32 $0x200, s1  }
0x99: {  	s0 =	sadd.s32 $0x100, s0;
	s3 =	sadd.s32 s3, s2  }
0x9a: {  	[tilespmem:s0], [sflag:$0x1] =	stream.linear.gather [spmem:s3], $0x80, $0x38;
	[tilespmem:$0x1D800] =	vst v63  }
0x9b: {  	s28 =	smov.u32 s10;
	s29 =	smov.u32 s9  }
.LBB2_8:
0x9c: {  	_ =	swait.ge [sflag:s17], $0x3200  }
0x9d: {  	[sflag:s17] =	ssyncset.done $0x0  }
0x9e: {  	s0 =	simm.s32 $0x0;
	s1 =	simm.s32 $0xC880;
	[sflag:s17] =	ssyncadd.s32 $0xFFFFCE00  }
.LBB2_9:
0x9f: {  	p0 =	sne.s32 s0, $0xC600  }
.Ltmp3:
0xa0: {  	_ = 	snop;
	(pc) =	sbr.rel @p0 .LBB2_9-.Ltmp3, $4  }
0xa1: {  	s3 =	sshra.s32 s0, $0x2  }
0xa2: {  	s3 =	sadd.s32 s3, s29  }
0xa3: {  	[tilespmem:s1], [sflag:$0x2] =	stream.linear.gather [spmem:s3], $0x80, $0x38;
	[tilespmem:$0x1D800] =	vst v63  }
0xa4: {  	s0 =	sadd.s32 $0x200, s0;
	s1 =	sadd.s32 $0x100, s1  }
0xa5: {  	s1 =	simm.s32 $0xC900  }
0xa6: {  	v15 =	vld [tilespmem:s1+$0x70]  }
0xa7: {  	v16 =	vld [tilespmem:s1+$0xFFFFFF10]  }
0xa8: {  	v17 =	vld [tilespmem:s1+$0xFFFFFF20]  }
0xa9: {  	v18 =	vld [tilespmem:s1+$0xFFFFFF30]  }
0xaa: {  	v19 =	vld [tilespmem:s1+$0xFFFFFF40]  }
0xab: {  	v20 =	vld [tilespmem:s1+$0xFFFFFF50];
	v15 =	vsub.s32 v15, v1  }
0xac: {  	v21 =	vld [tilespmem:s1+$0xFFFFFF60];
	v16 =	vsub.s32 v16, v1;
	v22 =	vmin.u32 v15, $0x8000  }
0xad: {  	v16 =	vmin.u32 v16, $0x8000;
	v15 =	vsub.s32 v17, v1;
	v17 =	vld [tilespmem:s1+$0xFFFFFF70]  }
0xae: {  	v24 =	vld [tilespmem:s1+$0x0];
	v23 =	vmin.u32 v15, $0x8000;
	v15 =	vsub.s32 v18, v1  }
0xaf: {  	v25 =	vmin.u32 v15, $0x8000;
	v15 =	vsub.s32 v19, v1;
	v19 =	vld [tilespmem:s1+$0x10]  }
0xb0: {  	v27 =	vld [tilespmem:s1+$0x20];
	v18 =	vsub.s32 v20, v1;
	v26 =	vmin.u32 v15, $0x8000  }
0xb1: {  	v20 =	vsub.s32 v21, v1;
	v15 =	vld [tilespmem:s1+$0x30];
	[tilespmem:v22+s18+$0x0] =	vst.idx.msk $0xffff, v7;
	v22 =	vmin.u32 v18, $0x8000  }
0xb2: {  	[tilespmem:v16+s18+$0x0] =	vst.idx.msk $0xffff, v7;
	v16 =	vld [tilespmem:s1+$0x40];
	v18 =	vmin.u32 v20, $0x8000;
	v20 =	vsub.s32 v17, v1  }
0xb3: {  	v21 =	vsub.s32 v24, v1;
	v17 =	vld [tilespmem:s1+$0x50];
	[tilespmem:v23+s18+$0x0] =	vst.idx.msk $0xffff, v7;
	v20 =	vmin.u32 v20, $0x8000  }
0xb4: {  	v24 =	vmin.u32 v21, $0x8000;
	[tilespmem:v25+s18+$0x0] =	vst.idx.msk $0xffff, v7;
	v23 =	vsub.s32 v19, v1;
	v19 =	vld [tilespmem:s1+$0x60]  }
0xb5: {  	s0 =	simm.s32 $0x0;
	v21 =	vld [tilespmem:s1+$0xFFFFFF00];
	v25 =	vsub.s32 v27, v1;
	s1 =	simm.s32 $0xCB00;
	[tilespmem:v26+s18+$0x0] =	vst.idx.msk $0xffff, v7;
	v23 =	vmin.u32 v23, $0x8000  }
.LBB2_11:
0xb6: {  	v26 =	vld [tilespmem:s1+$0x70];
	s0 =	sadd.s32 $0x10, s0;
	[tilespmem:v22+s18+$0x0] =	vst.idx.msk $0xffff, v7;
	v22 =	vmin.u32 v25, $0x8000;
	v15 =	vsub.s32 v15, v1  }
0xb7: {  	v25 =	vld [tilespmem:s1+$0xFFFFFF10];
	p0 =	slt.u32 s0, $0x310;
	[tilespmem:v18+s18+$0x0] =	vst.idx.msk $0xffff, v7;
	v15 =	vmin.u32 v15, $0x8000;
	v16 =	vsub.s32 v16, v1  }
0xb8: {  	v18 =	vld [tilespmem:s1+$0xFFFFFF20];
	[tilespmem:v20+s18+$0x0] =	vst.idx.msk $0xffff, v7;
	v16 =	vmin.u32 v16, $0x8000;
	v17 =	vsub.s32 v17, v1  }
0xb9: {  	v20 =	vld [tilespmem:s1+$0xFFFFFF30];
	[tilespmem:v24+s18+$0x0] =	vst.idx.msk $0xffff, v7;
	v17 =	vmin.u32 v17, $0x8000;
	v19 =	vsub.s32 v19, v1  }
0xba: {  	v24 =	vld [tilespmem:s1+$0xFFFFFF40];
	v21 =	vsub.s32 v21, v1;
	[tilespmem:v23+s18+$0x0] =	vst.idx.msk $0xffff, v7;
	v19 =	vmin.u32 v19, $0x8000  }
0xbb: {  	v23 =	vld [tilespmem:s1+$0xFFFFFF50];
	v26 =	vsub.s32 v26, v1;
	v21 =	vmin.u32 v21, $0x8000;
	[tilespmem:v22+s18+$0x0] =	vst.idx.msk $0xffff, v7  }
0xbc: {  	v22 =	vsub.s32 v25, v1;
	v25 =	vld [tilespmem:s1+$0xFFFFFF60];
	v26 =	vmin.u32 v26, $0x8000;
	[tilespmem:v15+s18+$0x0] =	vst.idx.msk $0xffff, v7  }
0xbd: {  	v27 =	vmin.u32 v22, $0x8000;
	v15 =	vsub.s32 v18, v1;
	v28 =	vld [tilespmem:s1+$0xFFFFFF70];
	[tilespmem:v16+s18+$0x0] =	vst.idx.msk $0xffff, v7  }
0xbe: {  	v29 =	vmin.u32 v15, $0x8000;
	v15 =	vsub.s32 v20, v1;
	v30 =	vld [tilespmem:s1+$0x0];
	[tilespmem:v17+s18+$0x0] =	vst.idx.msk $0xffff, v7  }
0xbf: {  	v31 =	vmin.u32 v15, $0x8000;
	v15 =	vsub.s32 v24, v1;
	v32 =	vld [tilespmem:s1+$0x10];
	[tilespmem:v19+s18+$0x0] =	vst.idx.msk $0xffff, v7  }
0xc0: {  	v33 =	vmin.u32 v15, $0x8000;
	v15 =	vsub.s32 v23, v1;
	v34 =	vld [tilespmem:s1+$0x20];
	[tilespmem:v21+s18+$0x0] =	vst.idx.msk $0xffff, v7  }
.Ltmp4:
0xc1: {  	v22 =	vmin.u32 v15, $0x8000;
	v16 =	vsub.s32 v25, v1;
	v15 =	vld [tilespmem:s1+$0x30];
	[tilespmem:v26+s18+$0x0] =	vst.idx.msk $0xffff, v7;
	(pc) =	sbr.rel @p0 .LBB2_11-.Ltmp4, $4  }
0xc2: {  	[tilespmem:v27+s18+$0x0] =	vst.idx.msk $0xffff, v7;
	v18 =	vmin.u32 v16, $0x8000;
	v17 =	vsub.s32 v28, v1;
	v16 =	vld [tilespmem:s1+$0x40]  }
0xc3: {  	[tilespmem:v29+s18+$0x0] =	vst.idx.msk $0xffff, v7;
	v20 =	vmin.u32 v17, $0x8000;
	v19 =	vsub.s32 v30, v1;
	v17 =	vld [tilespmem:s1+$0x50]  }
0xc4: {  	[tilespmem:v31+s18+$0x0] =	vst.idx.msk $0xffff, v7;
	v24 =	vmin.u32 v19, $0x8000;
	v23 =	vsub.s32 v32, v1;
	v19 =	vld [tilespmem:s1+$0x60]  }
0xc5: {  	v21 =	vld [tilespmem:s1+$0xFFFFFF00];
	[tilespmem:v33+s18+$0x0] =	vst.idx.msk $0xffff, v7;
	v23 =	vmin.u32 v23, $0x8000;
	v25 =	vsub.s32 v34, v1;
	s1 =	sadd.s32 $0x200, s1  }
0xc6: {  	_ =	sdelay $0x3  }
0xc7: {  	[tilespmem:v22+s18+$0x0] =	vst.idx.msk $0xffff, v7;
	v61 =	vmin.u32 v25, $0x8000;
	v15 =	vsub.s32 v15, v1  }
0xc8: {  	[tilespmem:v18+s18+$0x0] =	vst.idx.msk $0xffff, v7;
	v15 =	vmin.u32 v15, $0x8000;
	v16 =	vsub.s32 v16, v1  }
0xc9: {  	[tilespmem:v20+s18+$0x0] =	vst.idx.msk $0xffff, v7;
	v16 =	vmin.u32 v16, $0x8000;
	v17 =	vsub.s32 v17, v1  }
0xca: {  	[tilespmem:v24+s18+$0x0] =	vst.idx.msk $0xffff, v7;
	v17 =	vmin.u32 v17, $0x8000;
	v62 =	vsub.s32 v19, v1  }
0xcb: {  	[tilespmem:v23+s18+$0x0] =	vst.idx.msk $0xffff, v7;
	v63 =	vsub.s32 v21, v1;
	v18 =	vmin.u32 v62, $0x8000  }
0xcc: {  	v19 =	vmin.u32 v63, $0x8000;
	[tilespmem:v61+s18+$0x0] =	vst.idx.msk $0xffff, v7  }
0xcd: {  	[tilespmem:v15+s18+$0x0] =	vst.idx.msk $0xffff, v7  }
0xce: {  	[tilespmem:v16+s18+$0x0] =	vst.idx.msk $0xffff, v7  }
0xcf: {  	p0 =	seq.s32 s26, $0x7;
	[tilespmem:v17+s18+$0x0] =	vst.idx.msk $0xffff, v7  }
.Ltmp5:
0xd0: {  	[tilespmem:v18+s18+$0x0] =	vst.idx.msk $0xffff, v7;
	(pc) =	sbr.rel @p0 .LBB2_15-.Ltmp5, $4  }
0xd1: {  	[tilespmem:v19+s18+$0x0] =	vst.idx.msk $0xffff, v7  }
0xd2: {  	_ =	swait.ge [sflag:s19], $0x3200  }
0xd3: {  	[sflag:s19] =	ssyncset.done $0x0  }
0xd4: {  	[sflag:s19] =	ssyncadd.s32 $0xFFFFCE00  }
0xd5: {  	s0 =	simm.s32 $0xC800;
	s1 =	sadd.s32 $0x0, s28  }
0xd6: {  	[tilespmem:s0], [sflag:$0x1] =	stream.linear.gather [spmem:s1], $0x80, $0x38;
	[tilespmem:$0x1D800] =	vst v63  }
0xd7: {  	s1 =	simm.s32 $0x200  }
.LBB2_14:
0xd8: {  	p0 =	sne.s32 s1, $0xC600  }
.Ltmp6:
0xd9: {  	_ = 	snop;
	(pc) =	sbr.rel @p0 .LBB2_14-.Ltmp6, $4  }
0xda: {  	_ = 	snop  }
0xdb: {  	s3 =	sshra.s32 s1, $0x2;
	s1 =	sadd.s32 $0x200, s1  }
0xdc: {  	s0 =	sadd.s32 $0x100, s0;
	s3 =	sadd.s32 s3, s28  }
0xdd: {  	[tilespmem:s0], [sflag:$0x1] =	stream.linear.gather [spmem:s3], $0x80, $0x38;
	[tilespmem:$0x1D800] =	vst v63  }
.LBB2_15:
0xde: {  	s1 =	simm.s32 $0xC980  }
0xdf: {  	v15 =	vld [tilespmem:s1+$0x70]  }
0xe0: {  	v16 =	vld [tilespmem:s1+$0xFFFFFF10]  }
0xe1: {  	v17 =	vld [tilespmem:s1+$0xFFFFFF20]  }
0xe2: {  	v18 =	vld [tilespmem:s1+$0xFFFFFF30]  }
0xe3: {  	v19 =	vld [tilespmem:s1+$0xFFFFFF40]  }
0xe4: {  	v20 =	vld [tilespmem:s1+$0xFFFFFF50];
	v15 =	vsub.s32 v15, v1  }
0xe5: {  	v21 =	vld [tilespmem:s1+$0xFFFFFF60];
	v16 =	vsub.s32 v16, v1;
	v22 =	vmin.u32 v15, $0x8000  }
0xe6: {  	v16 =	vmin.u32 v16, $0x8000;
	v15 =	vsub.s32 v17, v1;
	v17 =	vld [tilespmem:s1+$0xFFFFFF70]  }
0xe7: {  	v24 =	vld [tilespmem:s1+$0x0];
	v23 =	vmin.u32 v15, $0x8000;
	v15 =	vsub.s32 v18, v1  }
0xe8: {  	v25 =	vmin.u32 v15, $0x8000;
	v15 =	vsub.s32 v19, v1;
	v19 =	vld [tilespmem:s1+$0x10]  }
0xe9: {  	v27 =	vld [tilespmem:s1+$0x20];
	v18 =	vsub.s32 v20, v1;
	v26 =	vmin.u32 v15, $0x8000  }
0xea: {  	v20 =	vsub.s32 v21, v1;
	v15 =	vld [tilespmem:s1+$0x30];
	[tilespmem:v22+s18+$0x0] =	vst.idx.msk $0xffff, v7;
	v22 =	vmin.u32 v18, $0x8000  }
0xeb: {  	[tilespmem:v16+s18+$0x0] =	vst.idx.msk $0xffff, v7;
	v16 =	vld [tilespmem:s1+$0x40];
	v18 =	vmin.u32 v20, $0x8000;
	v20 =	vsub.s32 v17, v1  }
0xec: {  	v21 =	vsub.s32 v24, v1;
	v17 =	vld [tilespmem:s1+$0x50];
	[tilespmem:v23+s18+$0x0] =	vst.idx.msk $0xffff, v7;
	v20 =	vmin.u32 v20, $0x8000  }
0xed: {  	v24 =	vmin.u32 v21, $0x8000;
	[tilespmem:v25+s18+$0x0] =	vst.idx.msk $0xffff, v7;
	v23 =	vsub.s32 v19, v1;
	v19 =	vld [tilespmem:s1+$0x60]  }
0xee: {  	s0 =	simm.s32 $0x0;
	v21 =	vld [tilespmem:s1+$0xFFFFFF00];
	v25 =	vsub.s32 v27, v1;
	s1 =	simm.s32 $0xCB80;
	[tilespmem:v26+s18+$0x0] =	vst.idx.msk $0xffff, v7;
	v23 =	vmin.u32 v23, $0x8000  }
.LBB2_16:
0xef: {  	v26 =	vld [tilespmem:s1+$0x70];
	s0 =	sadd.s32 $0x10, s0;
	[tilespmem:v22+s18+$0x0] =	vst.idx.msk $0xffff, v7;
	v22 =	vmin.u32 v25, $0x8000;
	v15 =	vsub.s32 v15, v1  }
0xf0: {  	v25 =	vld [tilespmem:s1+$0xFFFFFF10];
	p0 =	slt.u32 s0, $0x310;
	[tilespmem:v18+s18+$0x0] =	vst.idx.msk $0xffff, v7;
	v15 =	vmin.u32 v15, $0x8000;
	v16 =	vsub.s32 v16, v1  }
0xf1: {  	v18 =	vld [tilespmem:s1+$0xFFFFFF20];
	[tilespmem:v20+s18+$0x0] =	vst.idx.msk $0xffff, v7;
	v16 =	vmin.u32 v16, $0x8000;
	v17 =	vsub.s32 v17, v1  }
0xf2: {  	v20 =	vld [tilespmem:s1+$0xFFFFFF30];
	[tilespmem:v24+s18+$0x0] =	vst.idx.msk $0xffff, v7;
	v17 =	vmin.u32 v17, $0x8000;
	v19 =	vsub.s32 v19, v1  }
0xf3: {  	v24 =	vld [tilespmem:s1+$0xFFFFFF40];
	v21 =	vsub.s32 v21, v1;
	[tilespmem:v23+s18+$0x0] =	vst.idx.msk $0xffff, v7;
	v19 =	vmin.u32 v19, $0x8000  }
0xf4: {  	v23 =	vld [tilespmem:s1+$0xFFFFFF50];
	v26 =	vsub.s32 v26, v1;
	v21 =	vmin.u32 v21, $0x8000;
	[tilespmem:v22+s18+$0x0] =	vst.idx.msk $0xffff, v7  }
0xf5: {  	v22 =	vsub.s32 v25, v1;
	v25 =	vld [tilespmem:s1+$0xFFFFFF60];
	v26 =	vmin.u32 v26, $0x8000;
	[tilespmem:v15+s18+$0x0] =	vst.idx.msk $0xffff, v7  }
0xf6: {  	v27 =	vmin.u32 v22, $0x8000;
	v15 =	vsub.s32 v18, v1;
	v28 =	vld [tilespmem:s1+$0xFFFFFF70];
	[tilespmem:v16+s18+$0x0] =	vst.idx.msk $0xffff, v7  }
0xf7: {  	v29 =	vmin.u32 v15, $0x8000;
	v15 =	vsub.s32 v20, v1;
	v30 =	vld [tilespmem:s1+$0x0];
	[tilespmem:v17+s18+$0x0] =	vst.idx.msk $0xffff, v7  }
0xf8: {  	v31 =	vmin.u32 v15, $0x8000;
	v15 =	vsub.s32 v24, v1;
	v32 =	vld [tilespmem:s1+$0x10];
	[tilespmem:v19+s18+$0x0] =	vst.idx.msk $0xffff, v7  }
0xf9: {  	v33 =	vmin.u32 v15, $0x8000;
	v15 =	vsub.s32 v23, v1;
	v34 =	vld [tilespmem:s1+$0x20];
	[tilespmem:v21+s18+$0x0] =	vst.idx.msk $0xffff, v7  }
.Ltmp7:
0xfa: {  	v22 =	vmin.u32 v15, $0x8000;
	v16 =	vsub.s32 v25, v1;
	v15 =	vld [tilespmem:s1+$0x30];
	[tilespmem:v26+s18+$0x0] =	vst.idx.msk $0xffff, v7;
	(pc) =	sbr.rel @p0 .LBB2_16-.Ltmp7, $4  }
0xfb: {  	[tilespmem:v27+s18+$0x0] =	vst.idx.msk $0xffff, v7;
	v18 =	vmin.u32 v16, $0x8000;
	v17 =	vsub.s32 v28, v1;
	v16 =	vld [tilespmem:s1+$0x40]  }
0xfc: {  	[tilespmem:v29+s18+$0x0] =	vst.idx.msk $0xffff, v7;
	v20 =	vmin.u32 v17, $0x8000;
	v19 =	vsub.s32 v30, v1;
	v17 =	vld [tilespmem:s1+$0x50]  }
0xfd: {  	[tilespmem:v31+s18+$0x0] =	vst.idx.msk $0xffff, v7;
	v24 =	vmin.u32 v19, $0x8000;
	v23 =	vsub.s32 v32, v1;
	v19 =	vld [tilespmem:s1+$0x60]  }
0xfe: {  	v21 =	vld [tilespmem:s1+$0xFFFFFF00];
	[tilespmem:v33+s18+$0x0] =	vst.idx.msk $0xffff, v7;
	v23 =	vmin.u32 v23, $0x8000;
	v25 =	vsub.s32 v34, v1;
	s1 =	sadd.s32 $0x200, s1  }
0xff: {  	_ =	sdelay $0x3  }
0x100: {  	[tilespmem:v22+s18+$0x0] =	vst.idx.msk $0xffff, v7;
	v61 =	vmin.u32 v25, $0x8000;
	v15 =	vsub.s32 v15, v1  }
0x101: {  	[tilespmem:v18+s18+$0x0] =	vst.idx.msk $0xffff, v7;
	v15 =	vmin.u32 v15, $0x8000;
	v16 =	vsub.s32 v16, v1  }
0x102: {  	[tilespmem:v20+s18+$0x0] =	vst.idx.msk $0xffff, v7;
	v16 =	vmin.u32 v16, $0x8000;
	v17 =	vsub.s32 v17, v1  }
0x103: {  	[tilespmem:v24+s18+$0x0] =	vst.idx.msk $0xffff, v7;
	v17 =	vmin.u32 v17, $0x8000;
	v62 =	vsub.s32 v19, v1  }
0x104: {  	[tilespmem:v23+s18+$0x0] =	vst.idx.msk $0xffff, v7;
	s26 =	sadd.s32 $0x1, s26;
	v63 =	vsub.s32 v21, v1;
	v18 =	vmin.u32 v62, $0x8000  }
0x105: {  	p0 =	sne.s32 s26, $0x8;
	v19 =	vmin.u32 v63, $0x8000;
	[tilespmem:v61+s18+$0x0] =	vst.idx.msk $0xffff, v7  }
.Ltmp8:
0x106: {  	[tilespmem:v15+s18+$0x0] =	vst.idx.msk $0xffff, v7;
	(pc) =	sbr.rel @p0 .LBB2_8-.Ltmp8, $4  }
0x107: {  	[tilespmem:v16+s18+$0x0] =	vst.idx.msk $0xffff, v7  }
0x108: {  	[tilespmem:v17+s18+$0x0] =	vst.idx.msk $0xffff, v7  }
0x109: {  	[tilespmem:v18+s18+$0x0] =	vst.idx.msk $0xffff, v7  }
0x10a: {  	s29 =	sadd.s32 $0x6400, s29;
	s28 =	sadd.s32 $0x6400, s28;
	s31 =	simm.s32 $0x0;
	v15 =	vimm.f32 $0.0e+00;
	[tilespmem:v19+s18+$0x0] =	vst.idx.msk $0xffff, v7  }
0x10b: {  	s0 =	sand.u32 $0x7800, s31;
	s1 =	sand.u32 $0x300, s31  }
0x10c: {  	s0 =	sor.u32 s1, s0  }
0x10d: {  	v16 =	vor.u32 s0, v3  }
0x10e: {  	s1 =	sor.u32 $0x20, s0;
	v19 =	vor.u32 s0, v59  }
0x10f: {  	v17 =	vor.u32 s0, v53;
	v18 =	vor.u32 s1, v53  }
0x110: {  	v17 =	vand.u32 v10, v17  }
0x111: {  	s3 =	sor.u32 $0x60, s0;
	v20 =	vor.u32 s1, v0  }
0x112: {  	v21 =	vor.u32 s3, v3;
	v16 =	vld.idx.msk [tilespmem:v16+s18+$0x0], $0xffff  }
0x113: {  	v22 =	vor.u32 s3, v53;
	v25 =	vld.idx.msk [tilespmem:v19+s18+$0x0], $0xffff  }
0x114: {  	v23 =	vor.u32 s3, v59;
	v18 =	vld.idx.msk [tilespmem:v18+s18+$0x0], $0xffff  }
0x115: {  	s12 =	sor.u32 $0x40, s0;
	v26 =	vor.u32 s3, v0;
	v17 =	vld.idx.msk [tilespmem:v17+s18+$0x0], $0xffff  }
0x116: {  	v27 =	vor.u32 s12, v53;
	v20 =	vld.idx.msk [tilespmem:v20+s18+$0x0], $0xffff  }
0x117: {  	s11 =	sor.u32 $0x80, s0;
	v28 =	vor.u32 s12, v59;
	v21 =	vld.idx.msk [tilespmem:v21+s18+$0x0], $0xffff  }
0x118: {  	v24 =	vor.u32 s11, v53;
	v29 =	vor.u32 s1, v3;
	v22 =	vld.idx.msk [tilespmem:v22+s18+$0x0], $0xffff  }
0x119: {  	v19 =	vand.u32 v12, v24;
	v24 =	vor.u32 s12, v3;
	v23 =	vld.idx.msk [tilespmem:v23+s18+$0x0], $0xffff  }
0x11a: {  	v31 =	vor.u32 s11, v59;
	v26 =	vld.idx.msk [tilespmem:v26+s18+$0x0], $0xffff  }
0x11b: {  	v32 =	vor.u32 s1, v59;
	v27 =	vld.idx.msk [tilespmem:v27+s18+$0x0], $0xffff  }
0x11c: {  	s26 =	sor.u32 $0xA0, s0;
	v33 =	vor.u32 s12, v0;
	v28 =	vld.idx.msk [tilespmem:v28+s18+$0x0], $0xffff  }
0x11d: {  	v37 =	vor.u32 s26, v0;
	v29 =	vld.idx.msk [tilespmem:v29+s18+$0x0], $0xffff  }
0x11e: {  	v5 =	vld.idx.msk [tilespmem:v24+s18+$0x0], $0xffff;
	v24 =	vor.u32 s0, v0  }
0x11f: {  	v38 =	vor.u32 s26, v3;
	v31 =	vld.idx.msk [tilespmem:v31+s18+$0x0], $0xffff  }
0x120: {  	v32 =	vld.idx.msk [tilespmem:v32+s18+$0x0], $0xffff  }
0x121: {  	v34 =	vor.u32 s11, v0;
	v4 =	vld.idx.msk [tilespmem:v33+s18+$0x0], $0xffff  }
0x122: {  	v36 =	vor.u32 s11, v3;
	v48 =	vld.idx.msk [tilespmem:v37+s18+$0x0], $0xffff  }
0x123: {  	s24 =	sor.u32 $0xE0, s0;
	v39 =	vor.u32 s26, v53;
	v24 =	vld.idx.msk [tilespmem:v24+s18+$0x0], $0xffff  }
0x124: {  	v35 =	vor.u32 s24, v3;
	v40 =	vor.u32 s26, v59;
	v46 =	vor.u32 s24, v53;
	v37 =	vld.idx.msk [tilespmem:v38+s18+$0x0], $0xffff;
	s0 =	sor.u32 $0xC0, s0  }
0x125: {  	v60 =	vor.u32 s24, v59;
	v30 =	vld.idx.msk [tilespmem:v19+s18+$0x0], $0xffff;
	v41 =	vor.u32 s0, v0;
	v42 =	vor.u32 s0, v3  }
0x126: {  	s28 =	simm.s32 $0x200;
	s26 =	simm.s32 $0x100;
	v47 =	vmax.f32 v17, v25;
	v17 =	vadd.f32 v25, v17;
	v25 =	vld.idx.msk [tilespmem:v34+s18+$0x0], $0xffff;
	v6 =	vmax.f32 v27, v28  }
0x127: {  	s1 =	sand.u32 $0x7800, s28;
	s3 =	sand.u32 $0x300, s26;
	v27 =	vadd.f32 v28, v27;
	v28 =	vld.idx.msk [tilespmem:v36+s18+$0x0], $0xffff;
	v61 =	vmax.f32 v20, v29;
	v19 =	vadd.f32 v29, v20  }
0x128: {  	s1 =	sor.u32 s3, s1;
	v39 =	vld.idx.msk [tilespmem:v39+s18+$0x0], $0xffff;
	v29 =	vmax.f32 v26, v21;
	v21 =	vadd.f32 v21, v26;
	v26 =	vmax.f32 v24, v16  }
0x129: {  	s4 =	sor.u32 $0x20, s1;
	v46 =	vld.idx.msk [tilespmem:v46+s18+$0x0], $0xffff;
	v16 =	vadd.f32 v16, v24;
	v24 =	vmax.f32 v26, v47;
	v26 =	vmax.f32 v22, v23  }
0x12a: {  	v45 =	vor.u32 s24, v0;
	v2 =	vor.u32 s4, v3;
	v58 =	vmax.f32 v29, v26;
	v29 =	vld.idx.msk [tilespmem:v40+s18+$0x0], $0xffff  }
0x12b: {  	v43 =	vor.u32 s0, v53;
	v44 =	vor.u32 s0, v59;
	v26 =	vmax.f32 v30, v31;
	v40 =	vld.idx.msk [tilespmem:v35+s18+$0x0], $0xffff  }
0x12c: {  	v30 =	vadd.f32 v31, v30;
	v31 =	vmax.f32 v25, v28;
	v25 =	vadd.f32 v28, v25;
	v28 =	vld.idx.msk [tilespmem:v41+s18+$0x0], $0xffff  }
0x12d: {  	v38 =	vor.u32 s1, v59;
	v41 =	vld.idx.msk [tilespmem:v42+s18+$0x0], $0xffff;
	[tilespmem:$0x1FF80] =	vst v2  }
0x12e: {  	v49 =	vmax.f32 v31, v26;
	v26 =	vor.u32 s1, v3;
	v34 =	vld.idx.msk [tilespmem:v60+s18+$0x0], $0xffff  }
0x12f: {  	v50 =	vor.u32 s4, v0;
	v62 =	vmax.f32 v18, v32;
	v18 =	vadd.f32 v32, v18;
	v20 =	vld.idx.msk [tilespmem:v45+s18+$0x0], $0xffff  }
0x130: {  	s12 =	sor.u32 $0x60, s1;
	v36 =	vor.u32 s4, v53;
	v22 =	vadd.f32 v23, v22;
	v23 =	vadd.f32 v5, v4;
	v44 =	vld.idx.msk [tilespmem:v44+s18+$0x0], $0xffff  }
0x131: {  	v47 =	vor.u32 s12, v53;
	v16 =	vadd.f32 v17, v16;
	v17 =	vor.u32 s1, v53;
	v43 =	vld.idx.msk [tilespmem:v43+s18+$0x0], $0xffff  }
0x132: {  	v18 =	vadd.f32 v18, v19;
	v63 =	vand.u32 v10, v17;
	v32 =	vld.idx.msk [tilespmem:v38+s18+$0x0], $0xffff  }
0x133: {  	v23 =	vadd.f32 v27, v23;
	v27 =	vadd.f32 v16, v15;
	v54 =	vld.idx.msk [tilespmem:v26+s18+$0x0], $0xffff;
	v26 =	vor.u32 s12, v3  }
0x134: {  	v50 =	vld.idx.msk [tilespmem:v50+s18+$0x0], $0xffff  }
0x135: {  	v13 =	vmov v59;
	s29 =	simm.s32 $0x0;
	s5 =	sor.u32 $0x40, s1;
	v16 =	vld.idx.msk [tilespmem:v36+s18+$0x0], $0xffff;
	v18 =	vadd.f32 v18, v27  }
0x136: {  	s24 =	sor.u32 $0xA0, s1;
	v2 =	vor.u32 s5, v59;
	v56 =	vadd.f32 v24, v15;
	v11 =	vadd.f32 v22, v21;
	[tilespmem:s29+$0x1ACB0] =	vst v58;
	v45 =	vld.idx.msk [tilespmem:v47+s18+$0x0], $0xffff  }
0x137: {  	v31 =	vmax.f32 v61, v62;
	[tilespmem:s29+$0x1ACC0] =	vst v49;
	v35 =	vld.idx.msk [tilespmem:v63+s18+$0x0], $0xffff;
	v19 =	vadd.f32 v23, v18;
	v18 =	vor.u32 s24, v13  }
0x138: {  	v60 =	vmax.f32 v48, v37;
	v47 =	vmax.f32 v39, v29;
	v21 =	vld.idx.msk [tilespmem:v26+s18+$0x0], $0xffff;
	[tilespmem:$0x1FF90] =	vst v18  }
0x139: {  	v63 =	vadd.f32 v41, v28;
	v28 =	vmax.f32 v28, v41;
	[tilespmem:s29+$0x1AC90] =	vst v31;
	v31 =	vadd.f32 v31, v56  }
0x13a: {  	v56 =	vmax.f32 v43, v44;
	[tilespmem:s29+$0x1AC80] =	vst v24;
	v24 =	vadd.f32 v44, v43;
	v44 =	vmax.f32 v60, v47  }
0x13b: {  	v28 =	vmax.f32 v28, v56;
	[tilespmem:s29+$0x1ACD0] =	vst v44  }
0x13c: {  	s15 =	sor.u32 $0x80, s1;
	v47 =	vld.idx.msk [tilespmem:v2+s18+$0x0], $0xffff;
	[tilespmem:s29+$0x1ACE0] =	vst v28  }
0x13d: {  	v57 =	vor.u32 s12, v59;
	v27 =	vor.u32 s15, v53;
	v2 =	vld [tilespmem:$0x1FF80]  }
0x13e: {  	v25 =	vadd.f32 v30, v25;
	v30 =	vand.u32 v12, v27  }
0x13f: {  	v55 =	vor.u32 s12, v0  }
0x140: {  	v8 =	vor.u32 s1, v0;
	v9 =	vor.u32 s5, v0;
	v52 =	vor.u32 s5, v3  }
0x141: {  	v51 =	vor.u32 s24, v53;
	v33 =	vor.u32 s5, v53;
	s0 =	sor.u32 $0xE0, s1;
	v61 =	vor.u32 s15, v13  }
0x142: {  	v42 =	vor.u32 s15, v0;
	v59 =	vor.u32 s15, v3;
	v17 =	vor.u32 s0, v3;
	v57 =	vld.idx.msk [tilespmem:v57+s18+$0x0], $0xffff  }
0x143: {  	v62 =	vor.u32 s24, v0;
	v22 =	vor.u32 s4, v13;
	v37 =	vadd.f32 v37, v48;
	v38 =	vld.idx.msk [tilespmem:v30+s18+$0x0], $0xffff  }
0x144: {  	s1 =	sor.u32 $0xC0, s1;
	v36 =	vor.u32 s24, v3;
	v39 =	vadd.f32 v29, v39;
	v41 =	vld.idx.msk [tilespmem:v55+s18+$0x0], $0xffff;
	v56 =	vmax.f32 v4, v5  }
0x145: {  	v27 =	vor.u32 s1, v0;
	v19 =	vadd.f32 v11, v19;
	v60 =	vmax.f32 v56, v6;
	v48 =	vld.idx.msk [tilespmem:v2+s18+$0x0], $0xffff  }
0x146: {  	v29 =	vor.u32 s1, v13;
	v37 =	vadd.f32 v39, v37;
	v2 =	vld.idx.msk [tilespmem:v61+s18+$0x0], $0xffff;
	v61 =	vadd.f32 v60, v31  }
0x147: {  	v23 =	vor.u32 s1, v53;
	v19 =	vadd.f32 v25, v19;
	v25 =	vadd.f32 v40, v20;
	v33 =	vld.idx.msk [tilespmem:v33+s18+$0x0], $0xffff;
	[tilespmem:s29+$0x1ACA0] =	vst v60  }
0x148: {  	v31 =	vld.idx.msk [tilespmem:v22+s18+$0x0], $0xffff;
	v22 =	vmax.f32 v20, v40;
	v60 =	vadd.f32 v58, v61;
	v61 =	vmax.f32 v46, v34  }
0x149: {  	v18 =	vld.idx.msk [tilespmem:v52+s18+$0x0], $0xffff;
	v19 =	vadd.f32 v37, v19;
	v24 =	vadd.f32 v24, v63;
	v37 =	vmax.f32 v22, v61  }
0x14a: {  	v26 =	vor.u32 s1, v3;
	v30 =	vor.u32 s0, v0;
	v55 =	vld.idx.msk [tilespmem:v8+s18+$0x0], $0xffff;
	v63 =	vadd.f32 v34, v46;
	[tilespmem:s29+$0x1ACF0] =	vst v37  }
0x14b: {  	v52 =	vmax.f32 v35, v32;
	v35 =	vadd.f32 v32, v35;
	v19 =	vadd.f32 v24, v19;
	v4 =	vld [tilespmem:$0x1FF90]  }
0x14c: {  	v43 =	vor.u32 s0, v53;
	v24 =	vadd.f32 v63, v25;
	v32 =	vadd.f32 v47, v33  }
0x14d: {  	v63 =	vmax.f32 v45, v57;
	v20 =	vld.idx.msk [tilespmem:v9+s18+$0x0], $0xffff;
	v40 =	vadd.f32 v21, v41;
	v25 =	vadd.f32 v49, v60  }
0x14e: {  	v39 =	vld.idx.msk [tilespmem:v42+s18+$0x0], $0xffff;
	v22 =	vmax.f32 v33, v47;
	v33 =	vadd.f32 v24, v19;
	v19 =	vmax.f32 v41, v21  }
0x14f: {  	v21 =	vld.idx.msk [tilespmem:v62+s18+$0x0], $0xffff;
	v41 =	vadd.f32 v54, v55;
	v62 =	vadd.f32 v44, v25;
	v44 =	vor.u32 s0, v13  }
0x150: {  	v42 =	vld.idx.msk [tilespmem:v59+s18+$0x0], $0xffff;
	v19 =	vmax.f32 v19, v63;
	v47 =	vmax.f32 v50, v48;
	v34 =	vadd.f32 v48, v50  }
0x151: {  	s1 =	simm.s32 $0x80;
	v24 =	vld.idx.msk [tilespmem:v36+s18+$0x0], $0xffff;
	v49 =	vmax.f32 v16, v31;
	v48 =	vadd.f32 v57, v45;
	v25 =	vmax.f32 v55, v54  }
0x152: {  	s30 =	simm.s32 $0x0;
	v59 =	vmov v13;
	v45 =	vadd.f32 v18, v20;
	[tilespmem:s1+$0x1ACB0] =	vst v19;
	v36 =	vmax.f32 v25, v52;
	v25 =	vld.idx.msk [tilespmem:v51+s18+$0x0], $0xffff  }
0x153: {  	s11 =	simm.s32 $0x200;
	s12 =	simm.s32 $0x400;
	v50 =	vmax.f32 v38, v2;
	v38 =	vadd.f32 v2, v38;
	s0 =	simm.s32 $0x8;
	v46 =	vadd.f32 v28, v62;
	v28 =	vld.idx.msk [tilespmem:v4+s18+$0x0], $0xffff  }
.LBB2_19:
0x154: {  	v52 =	vld.idx.msk [tilespmem:v44+s18+$0x0], $0xffff  }
0x155: {  	v29 =	vld.idx.msk [tilespmem:v29+s18+$0x0], $0xffff  }
0x156: {  	s3 =	sand.u32 $0x7800, s12;
	s15 =	sand.u32 $0x300, s11;
	v16 =	vadd.f32 v31, v16;
	v23 =	vld.idx.msk [tilespmem:v23+s18+$0x0], $0xffff;
	v18 =	vmax.f32 v20, v18;
	v35 =	vadd.f32 v35, v41  }
0x157: {  	v2 =	vld [tilespmem:$0x1FFF0];
	v48 =	vadd.f32 v48, v40;
	s3 =	sor.u32 s15, s3;
	v37 =	vadd.f32 v37, v46;
	v46 =	vmax.f32 v47, v49  }
0x158: {  	v41 =	vld.idx.msk [tilespmem:v43+s18+$0x0], $0xffff;
	v32 =	vadd.f32 v32, v45;
	v18 =	vmax.f32 v18, v22;
	v62 =	vor.u32 s3, v3;
	s24 =	sor.u32 $0x20, s3  }
0x159: {  	v47 =	vld.idx.msk [tilespmem:v27+s18+$0x0], $0xffff;
	v31 =	vor.u32 s3, v59;
	s4 =	sor.u32 $0x40, s3;
	v34 =	vadd.f32 v16, v34;
	v51 =	vor.u32 s24, v3  }
0x15a: {  	v45 =	vld.idx.msk [tilespmem:v30+s18+$0x0], $0xffff;
	s5 =	sor.u32 $0x60, s3;
	v63 =	vor.u32 s24, v0;
	v12 =	vor.u32 s4, v0;
	v30 =	vor.u32 s4, v3  }
0x15b: {  	v43 =	vor.u32 s5, v3;
	v60 =	vmax.f32 v39, v42;
	v61 =	vadd.f32 v42, v39;
	v42 =	vld.idx.msk [tilespmem:v17+s18+$0x0], $0xffff  }
0x15c: {  	[tilespmem:s1+$0x1AC80] =	vst v36;
	v54 =	vor.u32 s4, v53;
	v55 =	vor.u32 s4, v59;
	v40 =	vmax.f32 v60, v50;
	v50 =	vld.idx.msk [tilespmem:v26+s18+$0x0], $0xffff  }
0x15d: {  	v33 =	vadd.f32 v35, v33;
	v35 =	vor.u32 s5, v0;
	v36 =	vadd.f32 v36, v37;
	v56 =	vld.idx.msk [tilespmem:v62+s18+$0x0], $0xffff  }
0x15e: {  	[tilespmem:s1+$0x1AC90] =	vst v46;
	v37 =	vor.u32 s5, v59;
	s4 =	sor.u32 $0x80, s3;
	v17 =	vor.u32 s3, v53;
	v59 =	vmax.f32 v21, v24;
	v31 =	vld.idx.msk [tilespmem:v31+s18+$0x0], $0xffff  }
0x15f: {  	v44 =	vor.u32 s4, v13;
	v21 =	vadd.f32 v24, v21;
	v33 =	vadd.f32 v34, v33;
	v60 =	vld.idx.msk [tilespmem:v63+s18+$0x0], $0xffff  }
0x160: {  	v27 =	vand.u32 v10, v17;
	v26 =	vor.u32 s24, v53;
	v36 =	vadd.f32 v46, v36;
	v9 =	vld.idx.msk [tilespmem:v43+s18+$0x0], $0xffff  }
0x161: {  	v32 =	vadd.f32 v32, v33;
	v33 =	vmax.f32 v25, v28;
	v25 =	vadd.f32 v28, v25;
	v46 =	vld.idx.msk [tilespmem:v30+s18+$0x0], $0xffff  }
0x162: {  	s15 =	sor.u32 $0xE0, s3;
	v49 =	vor.u32 s3, v0;
	v57 =	vor.u32 s4, v0;
	v58 =	vor.u32 s4, v3;
	v28 =	vld.idx.msk [tilespmem:v35+s18+$0x0], $0xffff  }
0x163: {  	v17 =	vor.u32 s15, v3;
	[tilespmem:s1+$0x1ACC0] =	vst v40;
	v38 =	vadd.f32 v38, v61;
	v20 =	vadd.f32 v25, v21;
	v21 =	vld.idx.msk [tilespmem:v51+s18+$0x0], $0xffff  }
0x164: {  	v63 =	vor.u32 s24, v13;
	v43 =	vadd.f32 v29, v23;
	v30 =	vor.u32 s15, v0;
	v51 =	vld.idx.msk [tilespmem:v44+s18+$0x0], $0xffff  }
0x165: {  	v32 =	vadd.f32 v48, v32;
	v25 =	vadd.f32 v42, v45;
	v16 =	vld.idx.msk [tilespmem:v26+s18+$0x0], $0xffff;
	v26 =	vor.u32 s5, v53  }
0x166: {  	v44 =	vor.u32 s15, v13;
	v34 =	vld.idx.msk [tilespmem:v27+s18+$0x0], $0xffff;
	v27 =	vor.u32 s4, v53;
	s5 =	sor.u32 $0xA0, s3;
	v62 =	vadd.f32 v50, v47  }
0x167: {  	v24 =	vld.idx.msk [tilespmem:v54+s18+$0x0], $0xffff;
	v50 =	vmax.f32 v47, v50;
	v39 =	vand.u32 v2, v27;
	v61 =	vor.u32 s5, v0  }
0x168: {  	s3 =	sor.u32 $0xC0, s3;
	v11 =	vor.u32 s5, v3;
	v5 =	vor.u32 s5, v53;
	v2 =	vld.idx.msk [tilespmem:v37+s18+$0x0], $0xffff;
	v37 =	vmax.f32 v23, v29  }
0x169: {  	v54 =	vld.idx.msk [tilespmem:v49+s18+$0x0], $0xffff;
	v6 =	vor.u32 s5, v13;
	v27 =	vor.u32 s3, v0;
	v48 =	vmax.f32 v50, v37  }
0x16a: {  	v50 =	vmax.f32 v59, v33;
	v33 =	vadd.f32 v43, v62;
	v62 =	vadd.f32 v18, v36;
	v4 =	vld.idx.msk [tilespmem:v26+s18+$0x0], $0xffff  }
0x16b: {  	v22 =	vadd.f32 v38, v32;
	v38 =	vmax.f32 v34, v31;
	v35 =	vadd.f32 v31, v34;
	v31 =	vld.idx.msk [tilespmem:v63+s18+$0x0], $0xffff  }
0x16c: {  	v23 =	vor.u32 s3, v53;
	v29 =	vor.u32 s3, v13;
	[tilespmem:s1+$0x1ACD0] =	vst v50;
	v19 =	vadd.f32 v19, v62;
	v8 =	vld.idx.msk [tilespmem:v39+s18+$0x0], $0xffff  }
0x16d: {  	v59 =	vmov v13;
	v62 =	vmax.f32 v41, v52;
	v34 =	vadd.f32 v21, v60;
	v39 =	vld.idx.msk [tilespmem:v55+s18+$0x0], $0xffff;
	[tilespmem:s1+$0x1ACA0] =	vst v18  }
0x16e: {  	v18 =	vadd.f32 v20, v22;
	v22 =	vadd.f32 v52, v41;
	v55 =	vmax.f32 v45, v42;
	v42 =	vld.idx.msk [tilespmem:v58+s18+$0x0], $0xffff  }
0x16f: {  	v47 =	vmax.f32 v60, v21;
	v19 =	vadd.f32 v40, v19;
	v40 =	vadd.f32 v9, v28;
	v21 =	vld.idx.msk [tilespmem:v61+s18+$0x0], $0xffff  }
0x170: {  	s0 =	sadd.s32 $0x8, s0;
	v63 =	vmax.f32 v28, v9;
	v28 =	vld.idx.msk [tilespmem:v6+s18+$0x0], $0xffff;
	v18 =	vadd.f32 v33, v18;
	v25 =	vadd.f32 v22, v25  }
0x171: {  	p0 =	slt.u32 s0, $0x1F8;
	v43 =	vor.u32 s15, v53;
	[tilespmem:s1+$0x1ACE0] =	vst v48;
	v41 =	vadd.f32 v56, v54;
	v20 =	vld.idx.msk [tilespmem:v12+s18+$0x0], $0xffff;
	v37 =	vmax.f32 v55, v62  }
.Ltmp9:
0x172: {  	v9 =	vadd.f32 v50, v19;
	v19 =	vmax.f32 v54, v56;
	v33 =	vadd.f32 v25, v18;
	v25 =	vld.idx.msk [tilespmem:v5+s18+$0x0], $0xffff;
	(pc) =	sbr.rel @p0 .LBB2_19-.Ltmp9, $4  }
0x173: {  	v26 =	vor.u32 s3, v3;
	[tilespmem:s1+$0x1ACF0] =	vst v37;
	v22 =	vmax.f32 v24, v39;
	v32 =	vadd.f32 v39, v24;
	v39 =	vld.idx.msk [tilespmem:v57+s18+$0x0], $0xffff  }
0x174: {  	v36 =	vmax.f32 v19, v38;
	v49 =	vmax.f32 v16, v31;
	v24 =	vld.idx.msk [tilespmem:v11+s18+$0x0], $0xffff;
	v11 =	vmax.f32 v4, v2  }
0x175: {  	s1 =	sshra.s32 s12, $0x2;
	v38 =	vadd.f32 v51, v8;
	v18 =	vmovc v46;
	v46 =	vadd.f32 v48, v9;
	v19 =	vmax.f32 v63, v11  }
0x176: {  	s11 =	sadd.s32 $0x100, s11;
	s12 =	sadd.s32 $0x200, s12;
	v50 =	vmax.f32 v8, v51;
	v48 =	vadd.f32 v2, v4;
	v45 =	vadd.f32 v18, v20;
	[tilespmem:s1+$0x1ACB0] =	vst v19  }
0x177: {  	_ =	sdelay $0x3  }
0x178: {  	v2 =	vld.idx.msk [tilespmem:v43+s18+$0x0], $0xffff  }
0x179: {  	v4 =	vld.idx.msk [tilespmem:v27+s18+$0x0], $0xffff  }
0x17a: {  	v5 =	vld.idx.msk [tilespmem:v26+s18+$0x0], $0xffff  }
0x17b: {  	v6 =	vld.idx.msk [tilespmem:v29+s18+$0x0], $0xffff  }
0x17c: {  	v8 =	vld.idx.msk [tilespmem:v23+s18+$0x0], $0xffff  }
0x17d: {  	v9 =	vld.idx.msk [tilespmem:v17+s18+$0x0], $0xffff  }
0x17e: {  	v17 =	vld.idx.msk [tilespmem:v44+s18+$0x0], $0xffff  }
0x17f: {  	v30 =	vld.idx.msk [tilespmem:v30+s18+$0x0], $0xffff;
	v29 =	vmax.f32 v47, v49;
	s0 =	sand.u32 $0x1C00, s31;
	s3 =	sand.u32 $0x100, s31  }
0x180: {  	v26 =	vmax.f32 v25, v28;
	[tilespmem:s1+$0x1AC80] =	vst v36;
	v18 =	vmax.f32 v20, v18;
	v11 =	vmax.f32 v39, v42;
	s12 =	sor.u32 s3, s0  }
0x181: {  	[tilespmem:s1+$0x1AC90] =	vst v29;
	v11 =	vmax.f32 v11, v50;
	v23 =	vmax.f32 v21, v24;
	v20 =	vor.u32 s12, v0  }
0x182: {  	[tilespmem:s1+$0x1ACC0] =	vst v11;
	v44 =	vmax.f32 v23, v26;
	v27 =	vmax.f32 v8, v6;
	v60 =	vmax.f32 v4, v5  }
0x183: {  	v61 =	vmax.f32 v18, v22;
	v18 =	vor.u32 s12, v3;
	s3 =	sor.u32 $0x80, s12;
	[tilespmem:s1+$0x1ACD0] =	vst v44;
	v43 =	vmax.f32 v60, v27  }
0x184: {  	v63 =	vor.u32 s3, v3;
	v22 =	vmax.f32 v30, v9;
	v23 =	vmax.f32 v2, v17;
	[tilespmem:s1+$0x1ACE0] =	vst v43  }
0x185: {  	s4 =	sor.u32 $0x60, s12;
	v49 =	vmax.f32 v22, v23;
	v54 =	vld [tilespmem:$0x1FFE0];
	[tilespmem:s1+$0x1ACA0] =	vst v61  }
0x186: {  	v37 =	vadd.f32 v37, v46;
	v46 =	vor.u32 s4, v0;
	[tilespmem:s1+$0x1ACF0] =	vst v49  }
0x187: {  	s15 =	sor.u32 $0x20, s12;
	v55 =	vor.u32 s4, v3;
	v50 =	vld.idx.msk [tilespmem:v20+s20+$0x0], $0xffff  }
0x188: {  	s0 =	sor.u32 $0xE0, s12;
	v57 =	vor.u32 s15, v0;
	v51 =	vld.idx.msk [tilespmem:v18+s20+$0x0], $0xffff  }
0x189: {  	v6 =	vadd.f32 v6, v8;
	v8 =	vadd.f32 v28, v25;
	v22 =	vor.u32 s0, v0;
	v25 =	vld.idx.msk [tilespmem:v63+s20+$0x0], $0xffff  }
0x18a: {  	v23 =	vor.u32 s0, v3;
	s1 =	sor.u32 $0xC0, s12;
	v13 =	vld [tilespmem:$0x1FFD0]  }
0x18b: {  	v35 =	vadd.f32 v35, v41;
	s11 =	sor.u32 $0xA0, s12;
	v27 =	vor.u32 s1, v3;
	v28 =	vld.idx.msk [tilespmem:v46+s20+$0x0], $0xffff  }
0x18c: {  	v16 =	vadd.f32 v31, v16;
	v24 =	vadd.f32 v24, v21;
	v31 =	vor.u32 s11, v3;
	v21 =	vld.idx.msk [tilespmem:v55+s20+$0x0], $0xffff  }
0x18d: {  	v40 =	vadd.f32 v48, v40;
	v9 =	vadd.f32 v9, v30;
	v30 =	vld.idx.msk [tilespmem:v57+s20+$0x0], $0xffff  }
0x18e: {  	v16 =	vadd.f32 v16, v34;
	v33 =	vadd.f32 v35, v33;
	v20 =	vor.u32 s1, v0;
	v18 =	vld.idx.msk [tilespmem:v22+s20+$0x0], $0xffff  }
0x18f: {  	v42 =	vadd.f32 v42, v39;
	v48 =	vadd.f32 v36, v37;
	v62 =	vor.u32 s3, v0;
	v22 =	vld.idx.msk [tilespmem:v23+s20+$0x0], $0xffff  }
0x190: {  	v32 =	vadd.f32 v32, v45;
	s5 =	sor.u32 $0x40, s12;
	v16 =	vadd.f32 v16, v33;
	v26 =	vor.u32 s12, v54;
	v23 =	vld.idx.msk [tilespmem:v27+s20+$0x0], $0xffff  }
0x191: {  	v4 =	vadd.f32 v5, v4;
	v5 =	vor.u32 s5, v0;
	v27 =	vld.idx.msk [tilespmem:v31+s20+$0x0], $0xffff;
	v31 =	vadd.f32 v29, v48  }
0x192: {  	v56 =	vor.u32 s5, v3;
	v16 =	vadd.f32 v32, v16;
	v12 =	vld [tilespmem:$0x1FFF0]  }
0x193: {  	v35 =	vadd.f32 v38, v42;
	v60 =	vor.u32 s15, v3;
	v20 =	vld.idx.msk [tilespmem:v20+s20+$0x0], $0xffff;
	v31 =	vadd.f32 v61, v31  }
0x194: {  	v16 =	vadd.f32 v40, v16;
	v29 =	vld.idx.msk [tilespmem:v62+s20+$0x0], $0xffff;
	v58 =	vor.u32 s12, v13;
	v63 =	vor.u32 s4, v13  }
0x195: {  	v4 =	vadd.f32 v6, v4;
	v34 =	vand.u32 v10, v58;
	v52 =	vld.idx.msk [tilespmem:v26+s20+$0x0], $0xffff;
	v6 =	vadd.f32 v19, v31  }
0x196: {  	v61 =	vor.u32 s15, v13;
	v19 =	vld.idx.msk [tilespmem:v5+s20+$0x0], $0xffff;
	v5 =	vadd.f32 v8, v24;
	v8 =	vadd.f32 v35, v16  }
0x197: {  	v26 =	vor.u32 s11, v0;
	v24 =	vld.idx.msk [tilespmem:v56+s20+$0x0], $0xffff  }
0x198: {  	v2 =	vadd.f32 v17, v2;
	v16 =	vor.u32 s15, v54;
	v31 =	vld.idx.msk [tilespmem:v60+s20+$0x0], $0xffff;
	v5 =	vadd.f32 v5, v8  }
0x199: {  	v32 =	vld.idx.msk [tilespmem:v63+s20+$0x0], $0xffff;
	v6 =	vadd.f32 v11, v6;
	v11 =	vor.u32 s5, v13  }
0x19a: {  	v2 =	vadd.f32 v2, v9;
	v8 =	vor.u32 s5, v54;
	v62 =	vld.idx.msk [tilespmem:v34+s20+$0x0], $0xffff;
	v4 =	vadd.f32 v4, v5  }
0x19b: {  	v42 =	vor.u32 s3, v54;
	v34 =	vld.idx.msk [tilespmem:v61+s20+$0x0], $0xffff;
	v5 =	vor.u32 s4, v54  }
0x19c: {  	v6 =	vadd.f32 v44, v6;
	v26 =	vld.idx.msk [tilespmem:v26+s20+$0x0], $0xffff;
	v17 =	vadd.f32 v2, v4;
	v2 =	vor.u32 s3, v13  }
0x19d: {  	v37 =	vld.idx.msk [tilespmem:v16+s20+$0x0], $0xffff;
	v41 =	vand.u32 v12, v2  }
0x19e: {  	v40 =	vor.u32 s11, v13;
	v6 =	vadd.f32 v43, v6;
	v33 =	vld.idx.msk [tilespmem:v11+s20+$0x0], $0xffff  }
0x19f: {  	v38 =	vor.u32 s11, v54;
	v39 =	vor.u32 s1, v13;
	v36 =	vld.idx.msk [tilespmem:v8+s20+$0x0], $0xffff  }
0x1a0: {  	v43 =	vmax.f32 v50, v51;
	v44 =	vmax.f32 v62, v52;
	v16 =	vadd.f32 v49, v6;
	v35 =	vld.idx.msk [tilespmem:v5+s20+$0x0], $0xffff  }
.LBB2_21:
0x1a1: {  	s3 =	sand.u32 $0x1C00, s28;
	s4 =	sand.u32 $0x100, s26;
	s12 =	sshra.s32 s28, $0x2;
	v2 =	vmax.f32 v43, v44;
	v4 =	vld.idx.msk [tilespmem:v42+s20+$0x0], $0xffff;
	v5 =	vor.u32 s1, v54;
	v6 =	vor.u32 s0, v13  }
0x1a2: {  	v9 =	vmax.f32 v30, v31;
	v11 =	vmax.f32 v34, v37;
	s11 =	sor.u32 s4, s3;
	v8 =	vadd.f32 v2, v15;
	v15 =	vld.idx.msk [tilespmem:v41+s20+$0x0], $0xffff  }
0x1a3: {  	v30 =	vor.u32 s11, v0;
	[tilespmem:s29+$0x1CC80] =	vst v2;
	v2 =	vmax.f32 v9, v11;
	v9 =	vld.idx.msk [tilespmem:v40+s20+$0x0], $0xffff;
	v11 =	vor.u32 s0, v54  }
0x1a4: {  	v19 =	vmax.f32 v19, v24;
	v24 =	vmax.f32 v33, v36;
	v8 =	vadd.f32 v2, v8;
	v31 =	vld.idx.msk [tilespmem:v38+s20+$0x0], $0xffff  }
0x1a5: {  	v33 =	vor.u32 s11, v3;
	v34 =	vor.u32 s11, v54;
	[tilespmem:s29+$0x1CC90] =	vst v2;
	v2 =	vmax.f32 v19, v24;
	v19 =	vld.idx.msk [tilespmem:v39+s20+$0x0], $0xffff  }
0x1a6: {  	v21 =	vmax.f32 v28, v21;
	s0 =	sor.u32 $0xE0, s11;
	v24 =	vmax.f32 v32, v35;
	v8 =	vadd.f32 v2, v8;
	v5 =	vld.idx.msk [tilespmem:v5+s20+$0x0], $0xffff  }
0x1a7: {  	v28 =	vor.u32 s0, v0;
	v32 =	vor.u32 s0, v3;
	[tilespmem:s29+$0x1CCA0] =	vst v2;
	v2 =	vmax.f32 v21, v24;
	v6 =	vld.idx.msk [tilespmem:v6+s20+$0x0], $0xffff  }
0x1a8: {  	s1 =	sor.u32 $0xC0, s11;
	v21 =	vmax.f32 v29, v25;
	v4 =	vmax.f32 v15, v4;
	v8 =	vadd.f32 v2, v8;
	v11 =	vld.idx.msk [tilespmem:v11+s20+$0x0], $0xffff  }
0x1a9: {  	v15 =	vor.u32 s1, v0;
	v24 =	vor.u32 s1, v3;
	v35 =	vld.idx.msk [tilespmem:v30+s20+$0x0], $0xffff;
	[tilespmem:s29+$0x1CCB0] =	vst v2;
	v2 =	vmax.f32 v21, v4  }
0x1aa: {  	s15 =	sor.u32 $0xA0, s11;
	v21 =	vmax.f32 v26, v27;
	v9 =	vmax.f32 v9, v31;
	v4 =	vld.idx.msk [tilespmem:v33+s20+$0x0], $0xffff;
	v8 =	vadd.f32 v2, v8  }
0x1ab: {  	v25 =	vor.u32 s15, v0;
	v27 =	vor.u32 s15, v3;
	v39 =	vld.idx.msk [tilespmem:v34+s20+$0x0], $0xffff;
	[tilespmem:s29+$0x1CCC0] =	vst v2;
	v2 =	vmax.f32 v21, v9  }
0x1ac: {  	v20 =	vmax.f32 v20, v23;
	s3 =	sor.u32 $0x80, s11;
	v5 =	vmax.f32 v19, v5;
	v9 =	vld.idx.msk [tilespmem:v28+s20+$0x0], $0xffff;
	v8 =	vadd.f32 v2, v8  }
0x1ad: {  	v19 =	vor.u32 s3, v0;
	v21 =	vor.u32 s3, v3;
	v28 =	vld.idx.msk [tilespmem:v32+s20+$0x0], $0xffff;
	[tilespmem:s29+$0x1CCD0] =	vst v2;
	v2 =	vmax.f32 v20, v5  }
0x1ae: {  	s4 =	sor.u32 $0x60, s11;
	v6 =	vmax.f32 v6, v11;
	v20 =	vld.idx.msk [tilespmem:v15+s20+$0x0], $0xffff;
	v5 =	vadd.f32 v2, v8;
	v8 =	vmax.f32 v18, v22  }
0x1af: {  	v11 =	vor.u32 s4, v0;
	v23 =	vld.idx.msk [tilespmem:v24+s20+$0x0], $0xffff;
	[tilespmem:s29+$0x1CCE0] =	vst v2;
	v2 =	vmax.f32 v8, v6  }
0x1b0: {  	s31 =	simm.s32 $0xE0;
	s5 =	sor.u32 $0x40, s11;
	v6 =	vor.u32 s4, v3;
	v26 =	vld.idx.msk [tilespmem:v25+s20+$0x0], $0xffff;
	[tilespmem:s29+$0x1CCF0] =	vst v2;
	v15 =	vadd.f32 v2, v5  }
0x1b1: {  	v2 =	vor.u32 s5, v0;
	s29 =	smov.u32 s12;
	v27 =	vld.idx.msk [tilespmem:v27+s20+$0x0], $0xffff  }
0x1b2: {  	s30 =	sadd.s32 $0x8, s30;
	s12 =	sor.u32 $0x20, s11;
	v5 =	vor.u32 s5, v3;
	v18 =	vmov v9;
	v29 =	vld.idx.msk [tilespmem:v19+s20+$0x0], $0xffff  }
0x1b3: {  	p0 =	slt.u32 s30, $0x78;
	v8 =	vor.u32 s12, v0;
	v22 =	vmov v28;
	v25 =	vld.idx.msk [tilespmem:v21+s20+$0x0], $0xffff  }
0x1b4: {  	v9 =	vor.u32 s11, v13;
	v31 =	vor.u32 s12, v3;
	v28 =	vld.idx.msk [tilespmem:v11+s20+$0x0], $0xffff  }
0x1b5: {  	v9 =	vand.u32 v10, v9;
	v21 =	vld.idx.msk [tilespmem:v6+s20+$0x0], $0xffff  }
0x1b6: {  	v6 =	vor.u32 s12, v13;
	v19 =	vld.idx.msk [tilespmem:v2+s20+$0x0], $0xffff  }
0x1b7: {  	v2 =	vor.u32 s12, v54;
	v24 =	vld.idx.msk [tilespmem:v5+s20+$0x0], $0xffff  }
0x1b8: {  	v5 =	vor.u32 s5, v13;
	v30 =	vld.idx.msk [tilespmem:v8+s20+$0x0], $0xffff  }
0x1b9: {  	v8 =	vor.u32 s5, v54;
	v31 =	vld.idx.msk [tilespmem:v31+s20+$0x0], $0xffff  }
0x1ba: {  	v11 =	vor.u32 s4, v13;
	v9 =	vld.idx.msk [tilespmem:v9+s20+$0x0], $0xffff  }
0x1bb: {  	v34 =	vld.idx.msk [tilespmem:v6+s20+$0x0], $0xffff;
	v6 =	vor.u32 s4, v54  }
.Ltmp10:
0x1bc: {  	v42 =	vor.u32 s3, v54;
	v37 =	vld.idx.msk [tilespmem:v2+s20+$0x0], $0xffff;
	v2 =	vor.u32 s3, v13;
	(pc) =	sbr.rel @p0 .LBB2_21-.Ltmp10, $4  }
0x1bd: {  	v33 =	vld.idx.msk [tilespmem:v5+s20+$0x0], $0xffff;
	v41 =	vand.u32 v12, v2  }
0x1be: {  	v40 =	vor.u32 s15, v13;
	v36 =	vld.idx.msk [tilespmem:v8+s20+$0x0], $0xffff  }
0x1bf: {  	v38 =	vor.u32 s15, v54;
	v32 =	vld.idx.msk [tilespmem:v11+s20+$0x0], $0xffff  }
0x1c0: {  	s26 =	sadd.s32 $0x100, s26;
	s28 =	sadd.s32 $0x200, s28;
	v43 =	vmax.f32 v35, v4;
	v44 =	vmax.f32 v9, v39;
	v39 =	vor.u32 s1, v13;
	v35 =	vld.idx.msk [tilespmem:v6+s20+$0x0], $0xffff  }
0x1c1: {  	_ =	sdelay $0x3  }
0x1c2: {  	v2 =	vld.idx.msk [tilespmem:v42+s20+$0x0], $0xffff;
	v4 =	vor.u32 s1, v54  }
0x1c3: {  	v6 =	vld.idx.msk [tilespmem:v41+s20+$0x0], $0xffff  }
0x1c4: {  	v5 =	vor.u32 s0, v13;
	v8 =	vld.idx.msk [tilespmem:v40+s20+$0x0], $0xffff  }
0x1c5: {  	v9 =	vor.u32 s0, v54;
	v11 =	vld.idx.msk [tilespmem:v38+s20+$0x0], $0xffff;
	v46 =	vmax.f32 v43, v44  }
0x1c6: {  	v39 =	vld.idx.msk [tilespmem:v39+s20+$0x0], $0xffff;
	v30 =	vmax.f32 v30, v31;
	v31 =	vmax.f32 v34, v37;
	v19 =	vmax.f32 v19, v24  }
0x1c7: {  	[tilespmem:s29+$0x1CC80] =	vst v46;
	v30 =	vmax.f32 v30, v31;
	v24 =	vmax.f32 v33, v36;
	v4 =	vld.idx.msk [tilespmem:v4+s20+$0x0], $0xffff  }
0x1c8: {  	[tilespmem:s29+$0x1CC90] =	vst v30;
	v33 =	vmax.f32 v19, v24  }
0x1c9: {  	v19 =	vmax.f32 v28, v21;
	v21 =	vmax.f32 v32, v35;
	[tilespmem:s29+$0x1CCA0] =	vst v33;
	v5 =	vld.idx.msk [tilespmem:v5+s20+$0x0], $0xffff  }
0x1ca: {  	v9 =	vld.idx.msk [tilespmem:v9+s20+$0x0], $0xffff;
	v47 =	vmax.f32 v19, v21;
	v19 =	vmax.f32 v29, v25;
	v2 =	vmax.f32 v6, v2  }
0x1cb: {  	v6 =	vmax.f32 v26, v27;
	v8 =	vmax.f32 v8, v11;
	v2 =	vmax.f32 v19, v2;
	[tilespmem:s29+$0x1CCB0] =	vst v47  }
0x1cc: {  	v11 =	vmax.f32 v20, v23;
	v6 =	vmax.f32 v6, v8;
	[tilespmem:s29+$0x1CCC0] =	vst v2;
	v4 =	vmax.f32 v39, v4  }
0x1cd: {  	v51 =	vld [tilespmem:$0x1FFC0];
	[tilespmem:s29+$0x1CCD0] =	vst v6;
	v4 =	vmax.f32 v11, v4  }
0x1ce: {  	[tilespmem:s29+$0x1CCE0] =	vst v4  }
0x1cf: {  	s3 =	simm.s32 $0x80;
	v19 =	vor.u32 s31, v0;
	v50 =	vld [tilespmem:$0x1FFB0]  }
0x1d0: {  	s11 =	simm.s32 $0x20;
	v25 =	vor.u32 s3, v0;
	v5 =	vmax.f32 v5, v9;
	v11 =	vmax.f32 v18, v22  }
0x1d1: {  	s28 =	simm.s32 $0xC0;
	v55 =	vor.u32 s11, v0;
	v5 =	vmax.f32 v11, v5  }
0x1d2: {  	s4 =	simm.s32 $0x60;
	v26 =	vor.u32 $0x100, v0;
	v9 =	vor.u32 s28, v0;
	[tilespmem:s29+$0x1CCF0] =	vst v5  }
0x1d3: {  	v62 =	vor.u32 s4, v26;
	v49 =	vld [tilespmem:$0x1FFA0]  }
0x1d4: {  	s30 =	simm.s32 $0xA0;
	v19 =	vld.idx.msk [tilespmem:v19+s21+$0x0], $0xffff;
	v11 =	vor.u32 s28, v50  }
0x1d5: {  	v18 =	vor.u32 s30, v0;
	v27 =	vld.idx.msk [tilespmem:v25+s21+$0x0], $0xffff  }
0x1d6: {  	v8 =	vor.u32 s31, v51;
	v57 =	vld.idx.msk [tilespmem:v55+s21+$0x0], $0xffff  }
0x1d7: {  	s5 =	simm.s32 $0x40;
	v25 =	vor.u32 $0x101, v0;
	v23 =	vld.idx.msk [tilespmem:v9+s21+$0x0], $0xffff;
	v9 =	vor.u32 s4, v0  }
0x1d8: {  	v34 =	vld.idx.msk [tilespmem:v62+s21+$0x0], $0xffff;
	v61 =	vor.u32 s5, v25  }
0x1d9: {  	v21 =	vld.idx.msk [tilespmem:v11+s21+$0x0], $0xffff;
	v11 =	vor.u32 s4, v51  }
0x1da: {  	v22 =	vld.idx.msk [tilespmem:v18+s21+$0x0], $0xffff;
	v18 =	vor.u32 s5, v0  }
0x1db: {  	s12 =	simm.s32 $0x0;
	v15 =	vadd.f32 v46, v15;
	v20 =	vld.idx.msk [tilespmem:v8+s21+$0x0], $0xffff;
	v8 =	vor.u32 s3, v3  }
0x1dc: {  	v56 =	vor.u32 s12, v25;
	v29 =	vld.idx.msk [tilespmem:v9+s21+$0x0], $0xffff  }
0x1dd: {  	v9 =	vadd.f32 v30, v15;
	v15 =	vor.u32 s12, v0;
	v37 =	vld.idx.msk [tilespmem:v61+s21+$0x0], $0xffff  }
0x1de: {  	v30 =	vld.idx.msk [tilespmem:v11+s21+$0x0], $0xffff;
	v11 =	vor.u32 s12, v3  }
0x1df: {  	v58 =	vor.u32 s11, v26;
	v31 =	vld.idx.msk [tilespmem:v18+s21+$0x0], $0xffff;
	v9 =	vadd.f32 v33, v9  }
0x1e0: {  	v18 =	vor.u32 s12, v26;
	v28 =	vld.idx.msk [tilespmem:v8+s21+$0x0], $0xffff;
	v8 =	vor.u32 s11, v49  }
0x1e1: {  	v18 =	vand.u32 v10, v18;
	v33 =	vld.idx.msk [tilespmem:v56+s21+$0x0], $0xffff;
	v9 =	vadd.f32 v47, v9  }
0x1e2: {  	v60 =	vld.idx.msk [tilespmem:v15+s21+$0x0], $0xffff;
	v15 =	vor.u32 s11, v25  }
0x1e3: {  	v2 =	vadd.f32 v2, v9;
	v9 =	vld.idx.msk [tilespmem:v11+s21+$0x0], $0xffff;
	v11 =	vor.u32 s5, v26  }
0x1e4: {  	v63 =	vor.u32 s4, v25;
	v47 =	vld.idx.msk [tilespmem:v58+s21+$0x0], $0xffff  }
0x1e5: {  	v54 =	vor.u32 s5, v50;
	v8 =	vld.idx.msk [tilespmem:v8+s21+$0x0], $0xffff;
	v2 =	vadd.f32 v6, v2  }
0x1e6: {  	v24 =	vor.u32 s30, v49;
	v6 =	vld.idx.msk [tilespmem:v18+s21+$0x0], $0xffff  }
0x1e7: {  	v45 =	vor.u32 s3, v25;
	v2 =	vadd.f32 v4, v2;
	v4 =	vld.idx.msk [tilespmem:v15+s21+$0x0], $0xffff;
	v15 =	vor.u32 s3, v26  }
0x1e8: {  	v35 =	vld.idx.msk [tilespmem:v11+s21+$0x0], $0xffff;
	v11 =	vand.u32 v12, v15  }
0x1e9: {  	v43 =	vor.u32 s30, v26;
	v36 =	vld.idx.msk [tilespmem:v63+s21+$0x0], $0xffff  }
0x1ea: {  	v42 =	vor.u32 s28, v26;
	v39 =	vor.u32 s31, v26;
	v41 =	vor.u32 s30, v25;
	v32 =	vld.idx.msk [tilespmem:v54+s21+$0x0], $0xffff  }
0x1eb: {  	v24 =	vld.idx.msk [tilespmem:v24+s21+$0x0], $0xffff;
	v15 =	vadd.f32 v5, v2;
	v2 =	vmax.f32 v60, v9;
	v5 =	vmax.f32 v6, v33  }
0x1ec: {  	v40 =	vor.u32 s28, v25;
	v18 =	vimm.f32 $0.0e+00;
	v33 =	vld.idx.msk [tilespmem:v45+s21+$0x0], $0xffff;
	v44 =	vmax.f32 v2, v5  }
0x1ed: {  	s0 =	simm.s32 $0x38;
	s1 =	simm.s32 $0x0;
	s11 =	simm.s32 $0x2E0;
	v46 =	vmax.f32 v57, v8;
	v47 =	vmax.f32 v47, v4;
	v45 =	vadd.f32 v44, v18;
	v38 =	vld.idx.msk [tilespmem:v11+s21+$0x0], $0xffff  }
.LBB2_23:
0x1ee: {  	s29 =	sshra.s32 s11, $0x2;
	v2 =	vor.u32 s11, v0;
	[tilespmem:s0+$0x1D448] =	vst v44;
	v4 =	vmax.f32 v46, v47;
	v5 =	vld.idx.msk [tilespmem:v43+s21+$0x0], $0xffff;
	v6 =	vor.u32 s31, v25;
	s31 =	smov.u32 s11  }
0x1ef: {  	s12 =	sadd.s32 $0xFFFFFFE0, s11;
	v9 =	vmax.f32 v31, v32;
	v11 =	vmax.f32 v35, v37;
	v8 =	vadd.f32 v4, v45;
	v31 =	vld.idx.msk [tilespmem:v41+s21+$0x0], $0xffff  }
0x1f0: {  	v35 =	vor.u32 s11, v51;
	v32 =	vor.u32 s12, v0;
	[tilespmem:s0+$0x1D458] =	vst v4;
	v4 =	vmax.f32 v9, v11;
	v9 =	vld.idx.msk [tilespmem:v42+s21+$0x0], $0xffff  }
0x1f1: {  	s26 =	sadd.s32 $0xFFFFFFC0, s11;
	v11 =	vmax.f32 v29, v30;
	v29 =	vmax.f32 v34, v36;
	v8 =	vadd.f32 v4, v8;
	v30 =	vld.idx.msk [tilespmem:v40+s21+$0x0], $0xffff  }
0x1f2: {  	v34 =	vor.u32 s26, v0;
	v36 =	vor.u32 s12, v50;
	[tilespmem:s0+$0x1D468] =	vst v4;
	v4 =	vmax.f32 v11, v29;
	v11 =	vld.idx.msk [tilespmem:v39+s21+$0x0], $0xffff  }
0x1f3: {  	s15 =	sadd.s32 $0xFFFFFFA0, s11;
	v27 =	vmax.f32 v27, v28;
	v28 =	vmax.f32 v38, v33;
	v8 =	vadd.f32 v4, v8;
	v6 =	vld.idx.msk [tilespmem:v6+s21+$0x0], $0xffff  }
0x1f4: {  	v29 =	vor.u32 s15, v0;
	v33 =	vor.u32 s26, v49;
	v2 =	vld.idx.msk [tilespmem:v2+s21+$0x0], $0xffff;
	[tilespmem:s0+$0x1D478] =	vst v4;
	v4 =	vmax.f32 v27, v28  }
0x1f5: {  	s30 =	sadd.s32 $0xFFFFFF80, s11;
	v22 =	vmax.f32 v22, v24;
	v5 =	vmax.f32 v5, v31;
	v35 =	vld.idx.msk [tilespmem:v35+s21+$0x0], $0xffff;
	v8 =	vadd.f32 v4, v8  }
0x1f6: {  	v31 =	vor.u32 s30, v0;
	v28 =	vor.u32 s15, v3;
	v32 =	vld.idx.msk [tilespmem:v32+s21+$0x0], $0xffff;
	[tilespmem:s0+$0x1D488] =	vst v4;
	v4 =	vmax.f32 v22, v5  }
0x1f7: {  	s3 =	sadd.s32 $0xFFFFFF60, s11;
	v9 =	vmax.f32 v9, v30;
	v5 =	vadd.f32 v4, v8;
	v8 =	vmax.f32 v23, v21;
	v21 =	vld.idx.msk [tilespmem:v36+s21+$0x0], $0xffff  }
0x1f8: {  	v30 =	vor.u32 s30, v51;
	v36 =	vor.u32 s3, v0;
	v22 =	vld.idx.msk [tilespmem:v34+s21+$0x0], $0xffff;
	[tilespmem:s0+$0x1D498] =	vst v4;
	v4 =	vmax.f32 v8, v9  }
0x1f9: {  	v8 =	vmax.f32 v19, v20;
	v6 =	vmax.f32 v11, v6;
	v24 =	vld.idx.msk [tilespmem:v33+s21+$0x0], $0xffff;
	v5 =	vadd.f32 v4, v5  }
0x1fa: {  	s4 =	sadd.s32 $0xFFFFFF40, s11;
	v9 =	vor.u32 s3, v50;
	v19 =	vmov v2;
	v27 =	vld.idx.msk [tilespmem:v29+s21+$0x0], $0xffff;
	[tilespmem:s0+$0x1D4A8] =	vst v4;
	v4 =	vmax.f32 v8, v6  }
0x1fb: {  	s28 =	simm.s32 $0x20;
	v2 =	vor.u32 s4, v0;
	v20 =	vmov v35;
	v28 =	vld.idx.msk [tilespmem:v28+s21+$0x0], $0xffff;
	[tilespmem:s0+$0x1D4B8] =	vst v4;
	v4 =	vadd.f32 v4, v5  }
0x1fc: {  	s5 =	sadd.s32 $0xFFFFFF20, s11;
	v5 =	vor.u32 s4, v49;
	v23 =	vmov v32;
	s0 =	smov.u32 s29;
	v29 =	vld.idx.msk [tilespmem:v31+s21+$0x0], $0xffff  }
0x1fd: {  	v6 =	vor.u32 s5, v0;
	v30 =	vld.idx.msk [tilespmem:v30+s21+$0x0], $0xffff  }
0x1fe: {  	s1 =	sadd.s32 $0x8, s1;
	v8 =	vor.u32 s5, v3;
	v31 =	vld.idx.msk [tilespmem:v36+s21+$0x0], $0xffff  }
0x1ff: {  	p0 =	slt.u32 s1, $0x18;
	v11 =	vor.u32 s5, v26;
	v33 =	vor.u32 s5, v25;
	v32 =	vld.idx.msk [tilespmem:v9+s21+$0x0], $0xffff  }
0x200: {  	v9 =	vand.u32 v10, v11;
	v2 =	vld.idx.msk [tilespmem:v2+s21+$0x0], $0xffff  }
0x201: {  	v11 =	vor.u32 s4, v26;
	v5 =	vld.idx.msk [tilespmem:v5+s21+$0x0], $0xffff  }
0x202: {  	v34 =	vor.u32 s4, v25;
	v6 =	vld.idx.msk [tilespmem:v6+s21+$0x0], $0xffff  }
0x203: {  	v35 =	vor.u32 s3, v26;
	v8 =	vld.idx.msk [tilespmem:v8+s21+$0x0], $0xffff  }
0x204: {  	v36 =	vor.u32 s3, v25;
	v33 =	vld.idx.msk [tilespmem:v33+s21+$0x0], $0xffff  }
0x205: {  	v38 =	vor.u32 s30, v26;
	v9 =	vld.idx.msk [tilespmem:v9+s21+$0x0], $0xffff  }
0x206: {  	v39 =	vor.u32 s30, v25;
	v11 =	vld.idx.msk [tilespmem:v11+s21+$0x0], $0xffff  }
0x207: {  	v40 =	vor.u32 s15, v25;
	v47 =	vld.idx.msk [tilespmem:v34+s21+$0x0], $0xffff;
	v34 =	vor.u32 s15, v26  }
0x208: {  	v35 =	vld.idx.msk [tilespmem:v35+s21+$0x0], $0xffff;
	v48 =	vand.u32 v12, v34  }
.Ltmp11:
0x209: {  	v43 =	vor.u32 s26, v26;
	v37 =	vld.idx.msk [tilespmem:v36+s21+$0x0], $0xffff;
	(pc) =	sbr.rel @p0 .LBB2_23-.Ltmp11, $4  }
0x20a: {  	v41 =	vor.u32 s26, v25;
	v34 =	vld.idx.msk [tilespmem:v38+s21+$0x0], $0xffff  }
0x20b: {  	v42 =	vor.u32 s12, v26;
	v6 =	vmax.f32 v6, v8;
	v8 =	vmax.f32 v9, v33;
	v36 =	vld.idx.msk [tilespmem:v39+s21+$0x0], $0xffff  }
0x20c: {  	v44 =	vmax.f32 v6, v8;
	v39 =	vor.u32 s11, v26;
	v33 =	vld.idx.msk [tilespmem:v40+s21+$0x0], $0xffff;
	v40 =	vor.u32 s12, v25  }
0x20d: {  	v46 =	vmax.f32 v2, v5;
	s11 =	sadd.s32 $0x200, s11;
	v45 =	vadd.f32 v44, v4;
	v47 =	vmax.f32 v11, v47;
	v38 =	vld.idx.msk [tilespmem:v48+s21+$0x0], $0xffff  }
0x20e: {  	_ =	sdelay $0x3  }
0x20f: {  	v2 =	vld.idx.msk [tilespmem:v43+s21+$0x0], $0xffff  }
0x210: {  	v4 =	vor.u32 s31, v25;
	v5 =	vld.idx.msk [tilespmem:v41+s21+$0x0], $0xffff  }
0x211: {  	v8 =	vld.idx.msk [tilespmem:v42+s21+$0x0], $0xffff  }
0x212: {  	v6 =	vmax.f32 v46, v47;
	v11 =	vmax.f32 v31, v32;
	v26 =	vld.idx.msk [tilespmem:v40+s21+$0x0], $0xffff  }
0x213: {  	v25 =	vmax.f32 v35, v37;
	v29 =	vmax.f32 v29, v30;
	v27 =	vmax.f32 v27, v28  }
0x214: {  	v22 =	vmax.f32 v22, v24;
	v9 =	vadd.f32 v6, v45;
	v11 =	vmax.f32 v11, v25;
	v25 =	vld.idx.msk [tilespmem:v39+s21+$0x0], $0xffff  }
0x215: {  	s1 =	simm.s32 $0x0;
	[tilespmem:s0+$0x1D458] =	vst v6;
	v30 =	vmax.f32 v34, v36;
	v28 =	vmax.f32 v38, v33;
	v4 =	vld.idx.msk [tilespmem:v4+s21+$0x0], $0xffff  }
0x216: {  	s3 =	sand.u32 $0x60, s28;
	s1 =	sand.u32 $0x100, s1;
	[tilespmem:s0+$0x1D468] =	vst v11;
	v9 =	vadd.f32 v11, v9;
	v6 =	vmax.f32 v29, v30;
	v11 =	vmax.f32 v27, v28  }
0x217: {  	[tilespmem:s0+$0x1D448] =	vst v44;
	s4 =	simm.s32 $0x0;
	s3 =	sor.u32 s1, s3;
	v2 =	vmax.f32 v2, v5;
	v5 =	vmax.f32 v23, v21;
	v8 =	vmax.f32 v8, v26  }
0x218: {  	s4 =	sand.u32 $0x40, s4;
	[tilespmem:s0+$0x1D478] =	vst v6;
	v23 =	vor.u32 s3, v0;
	v6 =	vadd.f32 v6, v9;
	v21 =	vor.u32 $0x81, v0  }
0x219: {  	s1 =	sor.u32 s4, s1;
	[tilespmem:s0+$0x1D488] =	vst v11;
	v2 =	vmax.f32 v22, v2;
	v5 =	vmax.f32 v5, v8;
	v8 =	vor.u32 s3, v3  }
0x21a: {  	v19 =	vmax.f32 v19, v20;
	v26 =	vor.u32 s1, v21;
	[tilespmem:s0+$0x1D498] =	vst v2;
	v4 =	vmax.f32 v25, v4  }
0x21b: {  	[tilespmem:s0+$0x1D4A8] =	vst v5;
	v6 =	vadd.f32 v11, v6;
	v11 =	vor.u32 s3, v21;
	v4 =	vmax.f32 v19, v4  }
0x21c: {  	v20 =	vor.u32 $0x80, v0;
	v25 =	vor.u32 s1, v0;
	[tilespmem:s0+$0x1D4B8] =	vst v4  }
0x21d: {  	s28 =	simm.s32 $0x80;
	s29 =	simm.s32 $0x60;
	v9 =	vor.u32 s1, v20;
	v22 =	vld.idx.msk [tilespmem:v23+s22+$0x0], $0xffff  }
0x21e: {  	v19 =	vor.u32 s1, v3;
	s1 =	sand.u32 $0x60, s29;
	s0 =	sand.u32 $0x100, s28;
	v24 =	vld.idx.msk [tilespmem:v8+s22+$0x0], $0xffff  }
0x21f: {  	v8 =	vor.u32 s3, v20;
	s11 =	sor.u32 s0, s1;
	v27 =	vld.idx.msk [tilespmem:v26+s22+$0x0], $0xffff  }
0x220: {  	s30 =	simm.s32 $0x40;
	v2 =	vadd.f32 v2, v6;
	v29 =	vld.idx.msk [tilespmem:v11+s22+$0x0], $0xffff;
	v6 =	vor.u32 s11, v0  }
0x221: {  	s1 =	sand.u32 $0x40, s30;
	v31 =	vld.idx.msk [tilespmem:v25+s22+$0x0], $0xffff  }
0x222: {  	s31 =	sor.u32 s1, s0;
	v34 =	vor.u32 s11, v3;
	v25 =	vld.idx.msk [tilespmem:v9+s22+$0x0], $0xffff  }
0x223: {  	v2 =	vadd.f32 v5, v2;
	v30 =	vor.u32 s31, v0;
	v23 =	vld.idx.msk [tilespmem:v19+s22+$0x0], $0xffff  }
0x224: {  	s12 =	simm.s32 $0x100;
	s15 =	simm.s32 $0xA0;
	v32 =	vor.u32 s31, v3;
	v26 =	vld.idx.msk [tilespmem:v8+s22+$0x0], $0xffff  }
0x225: {  	s3 =	simm.s32 $0x2;
	s1 =	simm.s32 $0x0;
	s0 =	simm.s32 $0x20;
	v33 =	vor.u32 s31, v20;
	v35 =	vor.u32 s31, v21;
	v19 =	vadd.f32 v4, v2;
	v28 =	vld.idx.msk [tilespmem:v6+s22+$0x0], $0xffff  }
.LBB2_25:
0x226: {  	s4 =	sand.u32 $0x100, s12  }
0x227: {  	s5 =	sadd.s32 $0xFFFFFFE0, s15;
	s24 =	sand.u32 $0x60, s15;
	v2 =	vld.idx.msk [tilespmem:v34+s22+$0x0], $0xffff;
	v4 =	vor.u32 s11, v20;
	s26 =	sshra.s32 s12, $0x2  }
0x228: {  	v6 =	vor.u32 s11, v21;
	s3 =	sadd.s32 $0x2, s3;
	s5 =	sand.u32 $0x40, s5;
	v5 =	vld.idx.msk [tilespmem:v30+s22+$0x0], $0xffff;
	s11 =	sor.u32 s4, s24  }
0x229: {  	v9 =	vmax.f32 v31, v23;
	v11 =	vmax.f32 v25, v27;
	p0 =	slt.u32 s3, $0x6;
	s4 =	sor.u32 s5, s4;
	v8 =	vor.u32 s11, v0;
	v23 =	vld.idx.msk [tilespmem:v32+s22+$0x0], $0xffff  }
.Ltmp12:
0x22a: {  	v34 =	vor.u32 s11, v3;
	v9 =	vmax.f32 v9, v11;
	v30 =	vor.u32 s4, v0;
	v25 =	vld.idx.msk [tilespmem:v33+s22+$0x0], $0xffff;
	(pc) =	sbr.rel @p0 .LBB2_25-.Ltmp12, $4  }
0x22b: {  	v11 =	vadd.f32 v9, v18;
	v18 =	vmax.f32 v22, v24;
	v13 =	vmax.f32 v26, v29;
	v27 =	vld.idx.msk [tilespmem:v35+s22+$0x0], $0xffff  }
0x22c: {  	v32 =	vor.u32 s4, v3;
	v22 =	vmov v28;
	v26 =	vld.idx.msk [tilespmem:v4+s22+$0x0], $0xffff;
	[tilespmem:s1+$0x1D680] =	vst v9;
	v4 =	vmax.f32 v18, v13  }
0x22d: {  	v33 =	vor.u32 s4, v20;
	v24 =	vmov v2;
	v29 =	vld.idx.msk [tilespmem:v6+s22+$0x0], $0xffff;
	[tilespmem:s1+$0x1D690] =	vst v4;
	v18 =	vadd.f32 v4, v11;
	s1 =	smov.u32 s0;
	s0 =	smov.u32 s26  }
0x22e: {  	s12 =	sadd.s32 $0x80, s12;
	s15 =	sadd.s32 $0x40, s15;
	v35 =	vor.u32 s4, v21;
	v31 =	vmov v5;
	v28 =	vld.idx.msk [tilespmem:v8+s22+$0x0], $0xffff  }
0x22f: {  	_ =	sdelay $0x3  }
0x230: {  	v2 =	vld.idx.msk [tilespmem:v34+s22+$0x0], $0xffff;
	v4 =	vor.u32 s11, v20  }
0x231: {  	v5 =	vld.idx.msk [tilespmem:v30+s22+$0x0], $0xffff;
	v6 =	vor.u32 s11, v21  }
0x232: {  	v8 =	vld.idx.msk [tilespmem:v32+s22+$0x0], $0xffff  }
0x233: {  	v9 =	vld.idx.msk [tilespmem:v33+s22+$0x0], $0xffff  }
0x234: {  	v11 =	vld.idx.msk [tilespmem:v35+s22+$0x0], $0xffff  }
0x235: {  	v4 =	vld.idx.msk [tilespmem:v4+s22+$0x0], $0xffff  }
0x236: {  	v6 =	vld.idx.msk [tilespmem:v6+s22+$0x0], $0xffff;
	_ =	sdelay $0x1  }
0x237: {  	v55 =	vmax.f32 v31, v23;
	v56 =	vmax.f32 v25, v27  }
0x238: {  	v57 =	vmax.f32 v22, v24;
	v20 =	vmax.f32 v55, v56;
	v58 =	vmax.f32 v26, v29  }
0x239: {  	[tilespmem:s1+$0x1D680] =	vst v20;
	v5 =	vmax.f32 v5, v8;
	v8 =	vmax.f32 v9, v11;
	v9 =	vmax.f32 v57, v58  }
0x23a: {  	v2 =	vmax.f32 v28, v2;
	v5 =	vmax.f32 v5, v8;
	[tilespmem:s1+$0x1D690] =	vst v9;
	v4 =	vmax.f32 v4, v6  }
0x23b: {  	[tilespmem:s0+$0x1D680] =	vst v5;
	v2 =	vmax.f32 v2, v4  }
0x23c: {  	v60 =	vor.u32 $0x60, v0;
	[tilespmem:s0+$0x1D690] =	vst v2  }
0x23d: {  	v6 =	vor.u32 $0x40, v0;
	v8 =	vld.idx.msk [tilespmem:v0+s23+$0x0], $0xffff  }
0x23e: {  	v11 =	vld.idx.msk [tilespmem:v3+s23+$0x0], $0xffff  }
0x23f: {  	v4 =	vor.u32 $0x20, v0;
	v61 =	vld.idx.msk [tilespmem:v50+s23+$0x0], $0xffff  }
0x240: {  	v62 =	vld.idx.msk [tilespmem:v49+s23+$0x0], $0xffff  }
0x241: {  	v21 =	vld.idx.msk [tilespmem:v60+s23+$0x0], $0xffff  }
0x242: {  	v6 =	vld.idx.msk [tilespmem:v6+s23+$0x0], $0xffff  }
0x243: {  	v63 =	vld.idx.msk [tilespmem:v51+s23+$0x0], $0xffff  }
0x244: {  	v18 =	vadd.f32 v20, v18;
	v4 =	vld.idx.msk [tilespmem:v4+s23+$0x0], $0xffff;
	_ =	sdelay $0x1  }
0x245: {  	v9 =	vadd.f32 v9, v18  }
0x246: {  	v8 =	vmax.f32 v8, v11;
	v6 =	vmax.f32 v6, v61  }
0x247: {  	(xrf2) =	vadd.scan.msk.f32 $0xffff, v17;
	v5 =	vadd.f32 v5, v9;
	v6 =	vmax.f32 v8, v6  }
0x248: {  	(xrf2) =	vadd.scan.msk.f32 $0xffff, v16;
	v9 =	vmax.f32 v21, v63;
	v4 =	vmax.f32 v4, v62;
	v8 =	vadd.f32 $0.0e+00, v6  }
0x249: {  	(xrf2) =	vadd.scan.msk.f32 $0xffff, v15;
	v2 =	vadd.f32 v2, v5;
	v4 =	vmax.f32 v4, v9  }
0x24a: {  	(xrf2) =	vadd.scan.msk.f32 $0xffff, v19;
	v5 =	vadd.f32 v4, v8  }
0x24b: {  	(xrf2) =	vadd.scan.msk.f32 $0xffff, v2  }
0x24c: {  	(xrf2) =	vadd.scan.msk.f32 $0xffff, v5;
	_ =	sdelay $0x4  }
0x24d: {  	v2, _, _ =	vpop (xrf2)  }
0x24e: {  	v2 =	vbroadcast v2, $0xF;
	v5, _, _ =	vpop (xrf2)  }
0x24f: {  	v8, _, _ =	vpop (xrf2);
	v5 =	vbroadcast v5, $0xF  }
0x250: {  	v2 =	vnsel vm0, $0x0, v2;
	v9, _, _ =	vpop (xrf2);
	v8 =	vbroadcast v8, $0xF  }
0x251: {  	v11, _, _ =	vpop (xrf2);
	v2 =	vsel vm1, v2, v5;
	v5 =	vbroadcast v9, $0xF  }
0x252: {  	v2 =	vsel vm2, v2, v8;
	v8 =	vbroadcast v11, $0xF;
	v9, _, _ =	vpop (xrf2)  }
0x253: {  	v2 =	vsel vm3, v2, v5;
	v5 =	vbroadcast v9, $0xF  }
0x254: {  	s25 =	sadd.s32 $0x1, s25;
	[tilespmem:$0x1D700] =	vst v6;
	v2 =	vsel vm4, v2, v8  }
0x255: {  	p0 =	sne.s32 s25, s7;
	[tilespmem:$0x1D710] =	vst v4;
	v2 =	vsel vm5, v2, v5  }
.Ltmp13:
0x256: {  	s30 =	simm.s32 $0x0;
	s31 =	simm.s32 $0x1D780;
	[tilespmem:$0x1D780] =	vst v2;
	(pc) =	sbr.rel @p0 .LBB2_1-.Ltmp13, $4  }
0x257: {  	[hbm4b:s6+s30] =	stream.linear.scatter [tilespmem:s31], [sflag:$0x4], $0x80, $0x38;
	[tilespmem:$0x1D800] =	vst v63  }
0x258: {  	_ =	swait.ge [sflag:s16], $0x80  }
0x259: {  	[sflag:s16] =	ssyncset.done $0x0  }
0x25a: {  	v2 =	vimm.f32 $0.0e+00;
	[sflag:s16] =	ssyncadd.s32 $0xFFFFFF80  }
0x25b: {  	_ =	sfence.sel $0x180000  }
0x25c: {  	[bflag:$0x0] =	sbarrier.arrive $0xFFFF  }
0x25d: {  	_ =	strace $0x90000047  }
0x25e: {  	s0 =	stileid.u32;
	[bflag:$0x2] =	sbarrier.arrive $0xFFFF  }
0x25f: {  	p0 =	sne.s32 s0, $0x0;
	s0 =	rddreg [dreg:$0x2]  }
0x260: {  	s0 =	sadd.s32 @!p0 $0x100000, s0  }
0x261: {  	[sflag:s0] =	ssyncadd.tile.s32 @!p0 $0x1;
	_ =	shalt  }
.Lfunc_end2:
_tile_overlayer_lowered:
.L_overlay_start_2:
0x262: {  	(tag) =	ssettag $0x2  }
0x263: {  	s0 =	rddreg [dreg:$0x0];
	s2 =	stileid.u32  }
0x264: {  	s1 =	rddreg [dreg:$0x1];
	p0 =	sne.s32 s2, $0x0  }
0x265: {  	s3 =	rddreg [dreg:$0x2];
	[bflag:$0x3] =	sbarrier.arrive $0xFFFF;
	s2 =	simm.s32 @!p0 $0x1C04  }
0x266: {  	[timem:s3], [sflag:s2] =	dma.local @!p0 [hbm:s0], s1  }
0x267: {  	s0 =	simm.s32 @!p0 $0x4  }
0x268: {  	_ =	swait.ge @!p0 [sflag:s0], s1  }
0x269: {  	s1 =	ssub.s32 @!p0 $0x0, s1;
	[sflag:s0] =	ssyncset.done @!p0 $0x0  }
0x26a: {  	[sflag:s0] =	ssyncadd.s32 @!p0 s1  }
0x26b: {  	[bflag:$0x3] =	sbarrier.arrive $0xFFFF  }
0x26c: {  	_ =	shalt  }

</sc_bundles>
